<compile_context>
chip_gen: v7x
topology: tpu7x:2x2x1
jax: 0.10.2.dev20260603
libtpu: 0.0.44.dev20260713+nightly
codegen_flags: <defaults>
</compile_context>

<pallas_src>
import functools

import jax
import jax.numpy as jnp
from jax import lax
from jax.experimental import pallas as pl
from jax.experimental.pallas import tpu as pltpu
from jax.experimental.pallas import tpu_sc as plsc

N = 10000
E = 320000
D = 128

NC = 2
NS = 16
NW = NC * NS

CH = 128
E_PAD = 327680
CHUNKS = E_PAD // CH
CPT = CHUNKS // NW
CPG_A = 8
NG_A = CPT // CPG_A
CPG_B = 16
NG_B = CPT // CPG_B
N_PAD = 10240
ROWS_PER_TILE = N_PAD // NS

_mesh = plsc.VectorSubcoreMesh(core_axis_name="c", subcore_axis_name="s")


@functools.partial(
    pl.kernel,
    out_type=jax.ShapeDtypeStruct((NC, N_PAD, D), jnp.float32),
    mesh=_mesh,
    scratch_types=[
        pltpu.VMEM((2, CH), jnp.int32),
        pltpu.VMEM((2, CH), jnp.int32),
        pltpu.VMEM((1, CH, D), jnp.float32),
        pltpu.VMEM_SHARED((N_PAD, D), jnp.float32),
        pltpu.SemaphoreType.DMA,
        pltpu.SemaphoreType.DMA,
        pltpu.SemaphoreType.DMA,
    ],
)
def _sc_sum(src2d, dst2d, x_hbm, zrow_hbm, out_sum,
            srcv, dstv, rows, acc_sh, si0, si1, sg):
    c = lax.axis_index("c")
    s = lax.axis_index("s")
    wid = s * NC + c
    r0 = s * ROWS_PER_TILE

    pltpu.sync_copy(zrow_hbm, rows.at[0])
    for k in range(ROWS_PER_TILE // CH):
        pltpu.sync_copy(rows.at[0], acc_sh.at[pl.ds(r0 + k * CH, CH)])
    plsc.subcore_barrier()

    base = wid * CPT

    def _fire_idx(j, b, sem):
        pltpu.async_copy(src2d.at[pl.ds(base + j, 1)],
                         srcv.at[pl.ds(b, 1)], sem)
        pltpu.async_copy(dst2d.at[pl.ds(base + j, 1)],
                         dstv.at[pl.ds(b, 1)], sem)

    def _wait_idx(b, sem):
        pltpu.make_async_copy(src2d.at[pl.ds(base, 1)],
                              srcv.at[pl.ds(b, 1)], sem).wait()
        pltpu.make_async_copy(dst2d.at[pl.ds(base, 1)],
                              dstv.at[pl.ds(b, 1)], sem).wait()

    def _gather_scatter(b):
        pltpu.async_copy(x_hbm.at[srcv.at[b]], rows.at[0], sg).wait()
        pltpu.sync_copy(rows.at[0], acc_sh.at[dstv.at[b]], add=True)

    _fire_idx(0, 0, si0)

    def body(k2, carry):
        j = 2 * k2
        _wait_idx(0, si0)
        _fire_idx(j + 1, 1, si1)
        _gather_scatter(0)
        _wait_idx(1, si1)

        @pl.when(k2 + 1 < CPT // 2)
        def _():
            _fire_idx(j + 2, 0, si0)

        _gather_scatter(1)
        return carry

    lax.fori_loop(0, CPT // 2, body, 0)
    plsc.subcore_barrier()

    for k in range(ROWS_PER_TILE // CH):
        pltpu.sync_copy(acc_sh.at[pl.ds(r0 + k * CH, CH)], rows.at[0])
        pltpu.sync_copy(rows.at[0], out_sum.at[c, pl.ds(r0 + k * CH, CH)])


@functools.partial(
    pl.kernel,
    out_type=jax.ShapeDtypeStruct((NC, N_PAD, D), jnp.float32),
    mesh=_mesh,
    scratch_types=[
        pltpu.VMEM((2, CH), jnp.int32),
        pltpu.VMEM((CH, D), jnp.float32),
        pltpu.VMEM_SHARED((N_PAD, D), jnp.float32),
        pltpu.SemaphoreType.DMA,
        pltpu.SemaphoreType.DMA,
    ],
)
def _sc_count(dst2d, zrow_hbm, ones_hbm, out_cnt, dstv, ones_v, cnt_sh,
              si0, si1):
    c = lax.axis_index("c")
    s = lax.axis_index("s")
    wid = s * NC + c
    r0 = s * ROWS_PER_TILE

    pltpu.sync_copy(zrow_hbm, ones_v)
    for k in range(ROWS_PER_TILE // CH):
        pltpu.sync_copy(ones_v, cnt_sh.at[pl.ds(r0 + k * CH, CH)])
    pltpu.sync_copy(ones_hbm, ones_v)
    plsc.subcore_barrier()

    base = wid * CPT

    def _fire_idx(j, b, sem):
        pltpu.async_copy(dst2d.at[pl.ds(base + j, 1)],
                         dstv.at[pl.ds(b, 1)], sem)

    def _wait_idx(b, sem):
        pltpu.make_async_copy(dst2d.at[pl.ds(base, 1)],
                              dstv.at[pl.ds(b, 1)], sem).wait()

    _fire_idx(0, 0, si0)

    def body(k2, carry):
        j = 2 * k2
        _wait_idx(0, si0)
        _fire_idx(j + 1, 1, si1)
        pltpu.sync_copy(ones_v, cnt_sh.at[dstv.at[0]], add=True)
        _wait_idx(1, si1)

        @pl.when(k2 + 1 < CPT // 2)
        def _():
            _fire_idx(j + 2, 0, si0)

        pltpu.sync_copy(ones_v, cnt_sh.at[dstv.at[1]], add=True)
        return carry

    lax.fori_loop(0, CPT // 2, body, 0)
    plsc.subcore_barrier()

    for k in range(ROWS_PER_TILE // CH):
        pltpu.sync_copy(cnt_sh.at[pl.ds(r0 + k * CH, CH)], ones_v)
        pltpu.sync_copy(ones_v, out_cnt.at[c, pl.ds(r0 + k * CH, CH)])


BLK = 400


def _tc_epilogue(ps_ref, cnt_ref, x_ref, wl_ref, wr_ref, bl_ref, o_ref):
    p = ps_ref[0] + ps_ref[1]
    cnt = (cnt_ref[0] + cnt_ref[1])[:, :1]
    mean = p / jnp.clip(cnt, 1.0, None)
    acc = jnp.dot(mean, wl_ref[...], preferred_element_type=jnp.float32)
    acc = acc + jnp.dot(x_ref[...], wr_ref[...],
                        preferred_element_type=jnp.float32)
    o_ref[...] = jnp.maximum(acc + bl_ref[...], 0.0)


def kernel(x, edge_index, W_l, W_r, b_l):
    dst = edge_index[0].astype(jnp.int32)
    src = edge_index[1].astype(jnp.int32)
    npad = E_PAD - E
    src2d = jnp.concatenate(
        [src, jnp.zeros((npad,), jnp.int32)]).reshape(CHUNKS, CH)
    dst2d = jnp.concatenate(
        [dst, jnp.full((npad,), N, jnp.int32)]).reshape(CHUNKS, CH)
    zrow = jnp.zeros((CH, D), jnp.float32)
    ones = jnp.ones((CH, D), jnp.float32)

    psum = _sc_sum(src2d, dst2d, x, zrow)
    pcnt = _sc_count(dst2d, zrow, ones)

    out = pl.pallas_call(
        _tc_epilogue,
        grid=(N // BLK,),
        in_specs=[
            pl.BlockSpec((NC, BLK, D), lambda i: (0, i, 0)),
            pl.BlockSpec((NC, BLK, D), lambda i: (0, i, 0)),
            pl.BlockSpec((BLK, D), lambda i: (i, 0)),
            pl.BlockSpec((D, D), lambda i: (0, 0)),
            pl.BlockSpec((D, D), lambda i: (0, 0)),
            pl.BlockSpec((1, D), lambda i: (0, 0)),
        ],
        out_specs=pl.BlockSpec((BLK, D), lambda i: (i, 0)),
        out_shape=jax.ShapeDtypeStruct((N, D), jnp.float32),
    )(psum, pcnt, x, W_l, W_r, b_l.reshape(1, D))
    return out

# --- scband reference (transcript-rebuilt; emitter-appended) ---
"""Pipeline reference for scband-graph-embedding-3195455668883 (READ-ONLY COPY).

The authoritative reference and input builder live on the scoring server;
editing this copy changes nothing except your own understanding.
"""

import jax, jax.numpy as jnp
import numpy as np

N = 10000
E = 320000
D_IN = 128
D_OUT = 128

def setup_inputs(seed: int = 0) -> dict:
    key = jax.random.key(seed)
    k1, k2, k3, k4, k5 = jax.random.split(key, 5)
    x = jax.random.normal(k1, (N, D_IN), dtype=jnp.float32)
    edge_index = jax.random.randint(k2, (2, E), 0, N, dtype=jnp.int64)
    # SAGEConv parameters: lin_l (applied to aggregated neighbors, with bias),
    # lin_r (applied to root/dst features, no bias) -- PyG convention.
    W_l = jax.random.normal(k3, (D_IN, D_OUT), dtype=jnp.float32) * (1.0 / np.sqrt(D_IN))
    W_r = jax.random.normal(k4, (D_IN, D_OUT), dtype=jnp.float32) * (1.0 / np.sqrt(D_IN))
    b_l = jax.random.normal(k5, (D_OUT,), dtype=jnp.float32) * 0.01
    return {"x": x, "edge_index": edge_index, "W_l": W_l, "W_r": W_r, "b_l": b_l}

def reference(x, edge_index, W_l, W_r, b_l):
    # GraphEmbedding.forward: SAGEConv((x, x[:N_dst]), adj_t) then relu.
    # adj_t stores (dst, src): row 0 = dst node ids, row 1 = src node ids.
    dst = edge_index[0]
    src = edge_index[1]
    # gather neighbor (source) features
    msg = jnp.take(x, src, axis=0)                      # [E, D_IN]
    # mean aggregation per destination node (scatter-add + count)
    summed = jax.ops.segment_sum(msg, dst, num_segments=N)            # [N, D_IN]
    cnt = jax.ops.segment_sum(jnp.ones((E,), dtype=x.dtype), dst, num_segments=N)
    mean = summed / jnp.clip(cnt, 1.0, None)[:, None]
    # SAGEConv: lin_l(aggregated) + lin_r(x_dst)
    out = mean @ W_l + b_l + x @ W_r
    return jax.nn.relu(out)

if __name__ == "__main__":
    import jax
    _d = setup_inputs()
    print(jax.jit(kernel)(*tuple(_d.values())))

</pallas_src>

<mosaic_0001>
#map = affine_map<(d0, d1) -> (0, 0)>
#map1 = affine_map<(d0, d1) -> (0, 0, 0)>
module attributes {stable_mosaic.version = 14 : i64} {
  func.func @_sc_count(%arg0: i32, %arg1: i32, %arg2: memref<2560x128xi32, #tpu.memory_space<hbm>>, %arg3: memref<128x128xf32, #tpu.memory_space<hbm>>, %arg4: memref<128x128xf32, #tpu.memory_space<hbm>>, %arg5: memref<2x10240x128xf32, #tpu.memory_space<hbm>>, %arg6: memref<2x128xi32, #tpu.memory_space<vmem>>, %arg7: memref<128x128xf32, #tpu.memory_space<vmem>>, %arg8: memref<10240x128xf32, #tpu.memory_space<vmem_shared>>, %arg9: memref<!tpu.dma_semaphore, #tpu.memory_space<semaphore_mem>>, %arg10: memref<!tpu.dma_semaphore, #tpu.memory_space<semaphore_mem>>) attributes {dimension_semantics = [#tpu.dimension_semantics<core_parallel>, #tpu.dimension_semantics<subcore_parallel>], iteration_bounds = array<i64: 2, 16>, scalar_prefetch = 0 : i64, scratch_operands = 5 : i64, tpu.core_type = #tpu.core_type<sc_vector_subcore>, window_params = [{transform_indices = #map}, {transform_indices = #map}, {transform_indices = #map}, {transform_indices = #map1}]} {
    %mul3A = arith.constant 2 : i32
    %mul3A_0 = arith.muli %arg1, %mul3A : i32
    %add3A = arith.addi %mul3A_0, %arg0 : i32
    %mul3A_1 = arith.constant 640 : i32
    %mul3A_2 = arith.muli %arg1, %mul3A_1 : i32
    "tpu.region"() ({
      %run_scoped3A = tpu.sem_alloc : memref<!tpu.dma_semaphore, #tpu.memory_space<semaphore_mem>>
      tpu.enqueue_dma source(%arg3 : memref<128x128xf32, #tpu.memory_space<hbm>>) target(%arg7 : memref<128x128xf32, #tpu.memory_space<vmem>>) target_semaphore(%run_scoped3A : memref<!tpu.dma_semaphore, #tpu.memory_space<semaphore_mem>>)
      tpu.wait_dma2 semaphore(%run_scoped3A : memref<!tpu.dma_semaphore, #tpu.memory_space<semaphore_mem>>) src(%arg3 : memref<128x128xf32, #tpu.memory_space<hbm>>) dst(%arg7 : memref<128x128xf32, #tpu.memory_space<vmem>>)
      tpu.yield
    }) : () -> ()
    %add3A_3 = arith.constant 0 : i32
    %add3A_4 = arith.addi %mul3A_2, %add3A_3 : i32
    "tpu.region"() ({
      %run_scoped3A = tpu.sem_alloc : memref<!tpu.dma_semaphore, #tpu.memory_space<semaphore_mem>>
      %dma_start3A_52 = arith.constant 0 : i32
      %dma_start3A_53 = tpu.memref_slice %arg8[%add3A_4, %dma_start3A_52] : memref<10240x128xf32, #tpu.memory_space<vmem_shared>> -> memref<128x128xf32, #tpu.memory_space<vmem_shared>>
      %dma_start3A_54 = arith.constant 0 : i32
      %dma_start3A_55 = tpu.memref_slice %arg8[%add3A_4, %dma_start3A_54] : memref<10240x128xf32, #tpu.memory_space<vmem_shared>> -> memref<128x128xf32, #tpu.memory_space<vmem_shared>>
      tpu.enqueue_dma source(%arg7 : memref<128x128xf32, #tpu.memory_space<vmem>>) target(%dma_start3A_55 : memref<128x128xf32, #tpu.memory_space<vmem_shared>>) target_semaphore(%run_scoped3A : memref<!tpu.dma_semaphore, #tpu.memory_space<semaphore_mem>>)
      %dma_wait3A = arith.constant 0 : i32
      %dma_wait3A_56 = tpu.memref_slice %arg8[%add3A_4, %dma_wait3A] : memref<10240x128xf32, #tpu.memory_space<vmem_shared>> -> memref<128x128xf32, #tpu.memory_space<vmem_shared>>
      %dma_wait3A_57 = arith.constant 0 : i32
      %dma_wait3A_58 = tpu.memref_slice %arg8[%add3A_4, %dma_wait3A_57] : memref<10240x128xf32, #tpu.memory_space<vmem_shared>> -> memref<128x128xf32, #tpu.memory_space<vmem_shared>>
      tpu.wait_dma2 semaphore(%run_scoped3A : memref<!tpu.dma_semaphore, #tpu.memory_space<semaphore_mem>>) src(%arg7 : memref<128x128xf32, #tpu.memory_space<vmem>>) dst(%dma_wait3A_58 : memref<128x128xf32, #tpu.memory_space<vmem_shared>>)
      tpu.yield
    }) : () -> ()
    %add3A_5 = arith.constant 128 : i32
    %add3A_6 = arith.addi %mul3A_2, %add3A_5 : i32
    "tpu.region"() ({
      %run_scoped3A = tpu.sem_alloc : memref<!tpu.dma_semaphore, #tpu.memory_space<semaphore_mem>>
      %dma_start3A_52 = arith.constant 0 : i32
      %dma_start3A_53 = tpu.memref_slice %arg8[%add3A_6, %dma_start3A_52] : memref<10240x128xf32, #tpu.memory_space<vmem_shared>> -> memref<128x128xf32, #tpu.memory_space<vmem_shared>>
      %dma_start3A_54 = arith.constant 0 : i32
      %dma_start3A_55 = tpu.memref_slice %arg8[%add3A_6, %dma_start3A_54] : memref<10240x128xf32, #tpu.memory_space<vmem_shared>> -> memref<128x128xf32, #tpu.memory_space<vmem_shared>>
      tpu.enqueue_dma source(%arg7 : memref<128x128xf32, #tpu.memory_space<vmem>>) target(%dma_start3A_55 : memref<128x128xf32, #tpu.memory_space<vmem_shared>>) target_semaphore(%run_scoped3A : memref<!tpu.dma_semaphore, #tpu.memory_space<semaphore_mem>>)
      %dma_wait3A = arith.constant 0 : i32
      %dma_wait3A_56 = tpu.memref_slice %arg8[%add3A_6, %dma_wait3A] : memref<10240x128xf32, #tpu.memory_space<vmem_shared>> -> memref<128x128xf32, #tpu.memory_space<vmem_shared>>
      %dma_wait3A_57 = arith.constant 0 : i32
      %dma_wait3A_58 = tpu.memref_slice %arg8[%add3A_6, %dma_wait3A_57] : memref<10240x128xf32, #tpu.memory_space<vmem_shared>> -> memref<128x128xf32, #tpu.memory_space<vmem_shared>>
      tpu.wait_dma2 semaphore(%run_scoped3A : memref<!tpu.dma_semaphore, #tpu.memory_space<semaphore_mem>>) src(%arg7 : memref<128x128xf32, #tpu.memory_space<vmem>>) dst(%dma_wait3A_58 : memref<128x128xf32, #tpu.memory_space<vmem_shared>>)
      tpu.yield
    }) : () -> ()
    %add3A_7 = arith.constant 256 : i32
    %add3A_8 = arith.addi %mul3A_2, %add3A_7 : i32
    "tpu.region"() ({
      %run_scoped3A = tpu.sem_alloc : memref<!tpu.dma_semaphore, #tpu.memory_space<semaphore_mem>>
      %dma_start3A_52 = arith.constant 0 : i32
      %dma_start3A_53 = tpu.memref_slice %arg8[%add3A_8, %dma_start3A_52] : memref<10240x128xf32, #tpu.memory_space<vmem_shared>> -> memref<128x128xf32, #tpu.memory_space<vmem_shared>>
      %dma_start3A_54 = arith.constant 0 : i32
      %dma_start3A_55 = tpu.memref_slice %arg8[%add3A_8, %dma_start3A_54] : memref<10240x128xf32, #tpu.memory_space<vmem_shared>> -> memref<128x128xf32, #tpu.memory_space<vmem_shared>>
      tpu.enqueue_dma source(%arg7 : memref<128x128xf32, #tpu.memory_space<vmem>>) target(%dma_start3A_55 : memref<128x128xf32, #tpu.memory_space<vmem_shared>>) target_semaphore(%run_scoped3A : memref<!tpu.dma_semaphore, #tpu.memory_space<semaphore_mem>>)
      %dma_wait3A = arith.constant 0 : i32
      %dma_wait3A_56 = tpu.memref_slice %arg8[%add3A_8, %dma_wait3A] : memref<10240x128xf32, #tpu.memory_space<vmem_shared>> -> memref<128x128xf32, #tpu.memory_space<vmem_shared>>
      %dma_wait3A_57 = arith.constant 0 : i32
      %dma_wait3A_58 = tpu.memref_slice %arg8[%add3A_8, %dma_wait3A_57] : memref<10240x128xf32, #tpu.memory_space<vmem_shared>> -> memref<128x128xf32, #tpu.memory_space<vmem_shared>>
      tpu.wait_dma2 semaphore(%run_scoped3A : memref<!tpu.dma_semaphore, #tpu.memory_space<semaphore_mem>>) src(%arg7 : memref<128x128xf32, #tpu.memory_space<vmem>>) dst(%dma_wait3A_58 : memref<128x128xf32, #tpu.memory_space<vmem_shared>>)
      tpu.yield
    }) : () -> ()
    %add3A_9 = arith.constant 384 : i32
    %add3A_10 = arith.addi %mul3A_2, %add3A_9 : i32
    "tpu.region"() ({
      %run_scoped3A = tpu.sem_alloc : memref<!tpu.dma_semaphore, #tpu.memory_space<semaphore_mem>>
      %dma_start3A_52 = arith.constant 0 : i32
      %dma_start3A_53 = tpu.memref_slice %arg8[%add3A_10, %dma_start3A_52] : memref<10240x128xf32, #tpu.memory_space<vmem_shared>> -> memref<128x128xf32, #tpu.memory_space<vmem_shared>>
      %dma_start3A_54 = arith.constant 0 : i32
      %dma_start3A_55 = tpu.memref_slice %arg8[%add3A_10, %dma_start3A_54] : memref<10240x128xf32, #tpu.memory_space<vmem_shared>> -> memref<128x128xf32, #tpu.memory_space<vmem_shared>>
      tpu.enqueue_dma source(%arg7 : memref<128x128xf32, #tpu.memory_space<vmem>>) target(%dma_start3A_55 : memref<128x128xf32, #tpu.memory_space<vmem_shared>>) target_semaphore(%run_scoped3A : memref<!tpu.dma_semaphore, #tpu.memory_space<semaphore_mem>>)
      %dma_wait3A = arith.constant 0 : i32
      %dma_wait3A_56 = tpu.memref_slice %arg8[%add3A_10, %dma_wait3A] : memref<10240x128xf32, #tpu.memory_space<vmem_shared>> -> memref<128x128xf32, #tpu.memory_space<vmem_shared>>
      %dma_wait3A_57 = arith.constant 0 : i32
      %dma_wait3A_58 = tpu.memref_slice %arg8[%add3A_10, %dma_wait3A_57] : memref<10240x128xf32, #tpu.memory_space<vmem_shared>> -> memref<128x128xf32, #tpu.memory_space<vmem_shared>>
      tpu.wait_dma2 semaphore(%run_scoped3A : memref<!tpu.dma_semaphore, #tpu.memory_space<semaphore_mem>>) src(%arg7 : memref<128x128xf32, #tpu.memory_space<vmem>>) dst(%dma_wait3A_58 : memref<128x128xf32, #tpu.memory_space<vmem_shared>>)
      tpu.yield
    }) : () -> ()
    %add3A_11 = arith.constant 512 : i32
    %add3A_12 = arith.addi %mul3A_2, %add3A_11 : i32
    "tpu.region"() ({
      %run_scoped3A = tpu.sem_alloc : memref<!tpu.dma_semaphore, #tpu.memory_space<semaphore_mem>>
      %dma_start3A_52 = arith.constant 0 : i32
      %dma_start3A_53 = tpu.memref_slice %arg8[%add3A_12, %dma_start3A_52] : memref<10240x128xf32, #tpu.memory_space<vmem_shared>> -> memref<128x128xf32, #tpu.memory_space<vmem_shared>>
      %dma_start3A_54 = arith.constant 0 : i32
      %dma_start3A_55 = tpu.memref_slice %arg8[%add3A_12, %dma_start3A_54] : memref<10240x128xf32, #tpu.memory_space<vmem_shared>> -> memref<128x128xf32, #tpu.memory_space<vmem_shared>>
      tpu.enqueue_dma source(%arg7 : memref<128x128xf32, #tpu.memory_space<vmem>>) target(%dma_start3A_55 : memref<128x128xf32, #tpu.memory_space<vmem_shared>>) target_semaphore(%run_scoped3A : memref<!tpu.dma_semaphore, #tpu.memory_space<semaphore_mem>>)
      %dma_wait3A = arith.constant 0 : i32
      %dma_wait3A_56 = tpu.memref_slice %arg8[%add3A_12, %dma_wait3A] : memref<10240x128xf32, #tpu.memory_space<vmem_shared>> -> memref<128x128xf32, #tpu.memory_space<vmem_shared>>
      %dma_wait3A_57 = arith.constant 0 : i32
      %dma_wait3A_58 = tpu.memref_slice %arg8[%add3A_12, %dma_wait3A_57] : memref<10240x128xf32, #tpu.memory_space<vmem_shared>> -> memref<128x128xf32, #tpu.memory_space<vmem_shared>>
      tpu.wait_dma2 semaphore(%run_scoped3A : memref<!tpu.dma_semaphore, #tpu.memory_space<semaphore_mem>>) src(%arg7 : memref<128x128xf32, #tpu.memory_space<vmem>>) dst(%dma_wait3A_58 : memref<128x128xf32, #tpu.memory_space<vmem_shared>>)
      tpu.yield
    }) : () -> ()
    "tpu.region"() ({
      %run_scoped3A = tpu.sem_alloc : memref<!tpu.dma_semaphore, #tpu.memory_space<semaphore_mem>>
      tpu.enqueue_dma source(%arg4 : memref<128x128xf32, #tpu.memory_space<hbm>>) target(%arg7 : memref<128x128xf32, #tpu.memory_space<vmem>>) target_semaphore(%run_scoped3A : memref<!tpu.dma_semaphore, #tpu.memory_space<semaphore_mem>>)
      tpu.wait_dma2 semaphore(%run_scoped3A : memref<!tpu.dma_semaphore, #tpu.memory_space<semaphore_mem>>) src(%arg4 : memref<128x128xf32, #tpu.memory_space<hbm>>) dst(%arg7 : memref<128x128xf32, #tpu.memory_space<vmem>>)
      tpu.yield
    }) : () -> ()
    %barrier3A = arith.constant 0 : index
    tpu.barrier barrier_id(%barrier3A)
    %mul3A_13 = arith.constant 80 : i32
    %mul3A_14 = arith.muli %add3A, %mul3A_13 : i32
    %add3A_15 = arith.constant 0 : i32
    %add3A_16 = arith.addi %mul3A_14, %add3A_15 : i32
    %dma_start3A = arith.constant 0 : i32
    %dma_start3A_17 = arith.constant 0 : i32
    %dma_start3A_18 = tpu.memref_slice %arg6[%dma_start3A, %dma_start3A_17] : memref<2x128xi32, #tpu.memory_space<vmem>> -> memref<1x128xi32, #tpu.memory_space<vmem>>
    %dma_start3A_19 = arith.constant 0 : i32
    %dma_start3A_20 = tpu.memref_slice %arg2[%add3A_16, %dma_start3A_19] : memref<2560x128xi32, #tpu.memory_space<hbm>> -> memref<1x128xi32, #tpu.memory_space<hbm>>
    %dma_start3A_21 = arith.constant 0 : i32
    %dma_start3A_22 = arith.constant 0 : i32
    %dma_start3A_23 = tpu.memref_slice %arg6[%dma_start3A_21, %dma_start3A_22] : memref<2x128xi32, #tpu.memory_space<vmem>> -> memref<1x128xi32, #tpu.memory_space<vmem>>
    %dma_start3A_24 = arith.constant 0 : i32
    %dma_start3A_25 = tpu.memref_slice %arg2[%add3A_16, %dma_start3A_24] : memref<2560x128xi32, #tpu.memory_space<hbm>> -> memref<1x128xi32, #tpu.memory_space<hbm>>
    tpu.enqueue_dma source(%dma_start3A_25 : memref<1x128xi32, #tpu.memory_space<hbm>>) target(%dma_start3A_23 : memref<1x128xi32, #tpu.memory_space<vmem>>) target_semaphore(%arg9 : memref<!tpu.dma_semaphore, #tpu.memory_space<semaphore_mem>>)
    %scan3A = arith.constant 0 : i32
    %scan3A_26 = arith.constant 0 : i32
    %scan3A_27 = arith.constant 40 : i32
    %scan3A_28 = arith.addi %scan3A_26, %scan3A_27 : i32
    %scan3A_29 = arith.constant 1 : i32
    scf.for %scan3A_52 = %scan3A_26 to %scan3A_28 step %scan3A_29  : i32 {
      %mul3A_53 = arith.constant 2 : i32
      %mul3A_54 = arith.muli %mul3A_53, %scan3A_52 : i32
      %dma_wait3A = arith.constant 0 : i32
      %dma_wait3A_55 = arith.constant 0 : i32
      %dma_wait3A_56 = tpu.memref_slice %arg6[%dma_wait3A, %dma_wait3A_55] : memref<2x128xi32, #tpu.memory_space<vmem>> -> memref<1x128xi32, #tpu.memory_space<vmem>>
      %dma_wait3A_57 = arith.constant 0 : i32
      %dma_wait3A_58 = tpu.memref_slice %arg2[%mul3A_14, %dma_wait3A_57] : memref<2560x128xi32, #tpu.memory_space<hbm>> -> memref<1x128xi32, #tpu.memory_space<hbm>>
      %dma_wait3A_59 = arith.constant 0 : i32
      %dma_wait3A_60 = arith.constant 0 : i32
      %dma_wait3A_61 = tpu.memref_slice %arg6[%dma_wait3A_59, %dma_wait3A_60] : memref<2x128xi32, #tpu.memory_space<vmem>> -> memref<1x128xi32, #tpu.memory_space<vmem>>
      %dma_wait3A_62 = arith.constant 0 : i32
      %dma_wait3A_63 = tpu.memref_slice %arg2[%mul3A_14, %dma_wait3A_62] : memref<2560x128xi32, #tpu.memory_space<hbm>> -> memref<1x128xi32, #tpu.memory_space<hbm>>
      tpu.wait_dma2 semaphore(%arg9 : memref<!tpu.dma_semaphore, #tpu.memory_space<semaphore_mem>>) src(%dma_wait3A_63 : memref<1x128xi32, #tpu.memory_space<hbm>>) dst(%dma_wait3A_61 : memref<1x128xi32, #tpu.memory_space<vmem>>)
      %add3A_64 = arith.constant 1 : i32
      %add3A_65 = arith.addi %mul3A_54, %add3A_64 : i32
      %add3A_66 = arith.addi %mul3A_14, %add3A_65 : i32
      %dma_start3A_67 = arith.constant 1 : i32
      %dma_start3A_68 = arith.constant 0 : i32
      %dma_start3A_69 = tpu.memref_slice %arg6[%dma_start3A_67, %dma_start3A_68] : memref<2x128xi32, #tpu.memory_space<vmem>> -> memref<1x128xi32, #tpu.memory_space<vmem>>
      %dma_start3A_70 = arith.constant 0 : i32
      %dma_start3A_71 = tpu.memref_slice %arg2[%add3A_66, %dma_start3A_70] : memref<2560x128xi32, #tpu.memory_space<hbm>> -> memref<1x128xi32, #tpu.memory_space<hbm>>
      %dma_start3A_72 = arith.constant 1 : i32
      %dma_start3A_73 = arith.constant 0 : i32
      %dma_start3A_74 = tpu.memref_slice %arg6[%dma_start3A_72, %dma_start3A_73] : memref<2x128xi32, #tpu.memory_space<vmem>> -> memref<1x128xi32, #tpu.memory_space<vmem>>
      %dma_start3A_75 = arith.constant 0 : i32
      %dma_start3A_76 = tpu.memref_slice %arg2[%add3A_66, %dma_start3A_75] : memref<2560x128xi32, #tpu.memory_space<hbm>> -> memref<1x128xi32, #tpu.memory_space<hbm>>
      tpu.enqueue_dma source(%dma_start3A_76 : memref<1x128xi32, #tpu.memory_space<hbm>>) target(%dma_start3A_74 : memref<1x128xi32, #tpu.memory_space<vmem>>) target_semaphore(%arg10 : memref<!tpu.dma_semaphore, #tpu.memory_space<semaphore_mem>>)
      %run_scoped3A = arith.constant 0 : i32
      "tpu.region"() ({
        %run_scoped3A_92 = tpu.sem_alloc : memref<!tpu.dma_semaphore, #tpu.memory_space<semaphore_mem>>
        %dma_start3A_93 = arith.constant 0 : i32
        %dma_start3A_94 = tpu.memref_slice %arg6[%run_scoped3A, %dma_start3A_93] : memref<2x128xi32, #tpu.memory_space<vmem>> -> memref<1x128xi32, #tpu.memory_space<vmem>>
        %dma_start3A_95 = tpu.memref_squeeze %dma_start3A_94 : memref<1x128xi32, #tpu.memory_space<vmem>> -> memref<128xi32, #tpu.memory_space<vmem>>
        %dma_start3A_96 = arith.constant 0 : i32
        %dma_start3A_97 = arith.constant 0 : i32
        %dma_start3A_98 = tpu.memref_slice %arg8[%dma_start3A_96, %dma_start3A_97] : memref<10240x128xf32, #tpu.memory_space<vmem_shared>> -> memref<10240x128xf32, #tpu.memory_space<vmem_shared>>
        tpu.enqueue_indirect_dma source(%arg7 : memref<128x128xf32, #tpu.memory_space<vmem>>) target(%dma_start3A_98 : memref<10240x128xf32, #tpu.memory_space<vmem_shared>>) offsets(%dma_start3A_95 : memref<128xi32, #tpu.memory_space<vmem>>) semaphore(%run_scoped3A_92 : memref<!tpu.dma_semaphore, #tpu.memory_space<semaphore_mem>>) {add = true}
        %dma_wait3A_99 = arith.constant 0 : i32
        %dma_wait3A_100 = tpu.memref_slice %arg6[%run_scoped3A, %dma_wait3A_99] : memref<2x128xi32, #tpu.memory_space<vmem>> -> memref<1x128xi32, #tpu.memory_space<vmem>>
        %dma_wait3A_101 = tpu.memref_squeeze %dma_wait3A_100 : memref<1x128xi32, #tpu.memory_space<vmem>> -> memref<128xi32, #tpu.memory_space<vmem>>
        %dma_wait3A_102 = arith.constant 0 : i32
        %dma_wait3A_103 = arith.constant 0 : i32
        %dma_wait3A_104 = tpu.memref_slice %arg8[%dma_wait3A_102, %dma_wait3A_103] : memref<10240x128xf32, #tpu.memory_space<vmem_shared>> -> memref<10240x128xf32, #tpu.memory_space<vmem_shared>>
        tpu.wait_indirect_dma semaphore(%run_scoped3A_92 : memref<!tpu.dma_semaphore, #tpu.memory_space<semaphore_mem>>) src(%arg7 : memref<128x128xf32, #tpu.memory_space<vmem>>) dst(%dma_wait3A_104 : memref<10240x128xf32, #tpu.memory_space<vmem_shared>>)
        tpu.yield
      }) : () -> ()
      %dma_wait3A_77 = arith.constant 1 : i32
      %dma_wait3A_78 = arith.constant 0 : i32
      %dma_wait3A_79 = tpu.memref_slice %arg6[%dma_wait3A_77, %dma_wait3A_78] : memref<2x128xi32, #tpu.memory_space<vmem>> -> memref<1x128xi32, #tpu.memory_space<vmem>>
      %dma_wait3A_80 = arith.constant 0 : i32
      %dma_wait3A_81 = tpu.memref_slice %arg2[%mul3A_14, %dma_wait3A_80] : memref<2560x128xi32, #tpu.memory_space<hbm>> -> memref<1x128xi32, #tpu.memory_space<hbm>>
      %dma_wait3A_82 = arith.constant 1 : i32
      %dma_wait3A_83 = arith.constant 0 : i32
      %dma_wait3A_84 = tpu.memref_slice %arg6[%dma_wait3A_82, %dma_wait3A_83] : memref<2x128xi32, #tpu.memory_space<vmem>> -> memref<1x128xi32, #tpu.memory_space<vmem>>
      %dma_wait3A_85 = arith.constant 0 : i32
      %dma_wait3A_86 = tpu.memref_slice %arg2[%mul3A_14, %dma_wait3A_85] : memref<2560x128xi32, #tpu.memory_space<hbm>> -> memref<1x128xi32, #tpu.memory_space<hbm>>
      tpu.wait_dma2 semaphore(%arg10 : memref<!tpu.dma_semaphore, #tpu.memory_space<semaphore_mem>>) src(%dma_wait3A_86 : memref<1x128xi32, #tpu.memory_space<hbm>>) dst(%dma_wait3A_84 : memref<1x128xi32, #tpu.memory_space<vmem>>)
      %add3A_87 = arith.constant 1 : i32
      %add3A_88 = arith.addi %scan3A_52, %add3A_87 : i32
      %lt3A = arith.constant 40 : i32
      %lt3A_89 = arith.cmpi slt, %add3A_88, %lt3A : i32
      %convert_element_type3A = arith.extui %lt3A_89 : i1 to i32
      %cond3A = arith.constant 0 : i32
      %cond3A_90 = arith.cmpi ne, %convert_element_type3A, %cond3A : i32
      scf.if %cond3A_90 {
        %add3A_92 = arith.constant 2 : i32
        %add3A_93 = arith.addi %mul3A_54, %add3A_92 : i32
        %add3A_94 = arith.addi %mul3A_14, %add3A_93 : i32
        %dma_start3A_95 = arith.constant 0 : i32
        %dma_start3A_96 = arith.constant 0 : i32
        %dma_start3A_97 = tpu.memref_slice %arg6[%dma_start3A_95, %dma_start3A_96] : memref<2x128xi32, #tpu.memory_space<vmem>> -> memref<1x128xi32, #tpu.memory_space<vmem>>
        %dma_start3A_98 = arith.constant 0 : i32
        %dma_start3A_99 = tpu.memref_slice %arg2[%add3A_94, %dma_start3A_98] : memref<2560x128xi32, #tpu.memory_space<hbm>> -> memref<1x128xi32, #tpu.memory_space<hbm>>
        %dma_start3A_100 = arith.constant 0 : i32
        %dma_start3A_101 = arith.constant 0 : i32
        %dma_start3A_102 = tpu.memref_slice %arg6[%dma_start3A_100, %dma_start3A_101] : memref<2x128xi32, #tpu.memory_space<vmem>> -> memref<1x128xi32, #tpu.memory_space<vmem>>
        %dma_start3A_103 = arith.constant 0 : i32
        %dma_start3A_104 = tpu.memref_slice %arg2[%add3A_94, %dma_start3A_103] : memref<2560x128xi32, #tpu.memory_space<hbm>> -> memref<1x128xi32, #tpu.memory_space<hbm>>
        tpu.enqueue_dma source(%dma_start3A_104 : memref<1x128xi32, #tpu.memory_space<hbm>>) target(%dma_start3A_102 : memref<1x128xi32, #tpu.memory_space<vmem>>) target_semaphore(%arg9 : memref<!tpu.dma_semaphore, #tpu.memory_space<semaphore_mem>>)
      } else {
      }
      %run_scoped3A_91 = arith.constant 1 : i32
      "tpu.region"() ({
        %run_scoped3A_92 = tpu.sem_alloc : memref<!tpu.dma_semaphore, #tpu.memory_space<semaphore_mem>>
        %dma_start3A_93 = arith.constant 0 : i32
        %dma_start3A_94 = tpu.memref_slice %arg6[%run_scoped3A_91, %dma_start3A_93] : memref<2x128xi32, #tpu.memory_space<vmem>> -> memref<1x128xi32, #tpu.memory_space<vmem>>
        %dma_start3A_95 = tpu.memref_squeeze %dma_start3A_94 : memref<1x128xi32, #tpu.memory_space<vmem>> -> memref<128xi32, #tpu.memory_space<vmem>>
        %dma_start3A_96 = arith.constant 0 : i32
        %dma_start3A_97 = arith.constant 0 : i32
        %dma_start3A_98 = tpu.memref_slice %arg8[%dma_start3A_96, %dma_start3A_97] : memref<10240x128xf32, #tpu.memory_space<vmem_shared>> -> memref<10240x128xf32, #tpu.memory_space<vmem_shared>>
        tpu.enqueue_indirect_dma source(%arg7 : memref<128x128xf32, #tpu.memory_space<vmem>>) target(%dma_start3A_98 : memref<10240x128xf32, #tpu.memory_space<vmem_shared>>) offsets(%dma_start3A_95 : memref<128xi32, #tpu.memory_space<vmem>>) semaphore(%run_scoped3A_92 : memref<!tpu.dma_semaphore, #tpu.memory_space<semaphore_mem>>) {add = true}
        %dma_wait3A_99 = arith.constant 0 : i32
        %dma_wait3A_100 = tpu.memref_slice %arg6[%run_scoped3A_91, %dma_wait3A_99] : memref<2x128xi32, #tpu.memory_space<vmem>> -> memref<1x128xi32, #tpu.memory_space<vmem>>
        %dma_wait3A_101 = tpu.memref_squeeze %dma_wait3A_100 : memref<1x128xi32, #tpu.memory_space<vmem>> -> memref<128xi32, #tpu.memory_space<vmem>>
        %dma_wait3A_102 = arith.constant 0 : i32
        %dma_wait3A_103 = arith.constant 0 : i32
        %dma_wait3A_104 = tpu.memref_slice %arg8[%dma_wait3A_102, %dma_wait3A_103] : memref<10240x128xf32, #tpu.memory_space<vmem_shared>> -> memref<10240x128xf32, #tpu.memory_space<vmem_shared>>
        tpu.wait_indirect_dma semaphore(%run_scoped3A_92 : memref<!tpu.dma_semaphore, #tpu.memory_space<semaphore_mem>>) src(%arg7 : memref<128x128xf32, #tpu.memory_space<vmem>>) dst(%dma_wait3A_104 : memref<10240x128xf32, #tpu.memory_space<vmem_shared>>)
        tpu.yield
      }) : () -> ()
    }
    %scan3A_30 = arith.constant 40 : i32
    %barrier3A_31 = arith.constant 0 : index
    tpu.barrier barrier_id(%barrier3A_31)
    %add3A_32 = arith.constant 0 : i32
    %add3A_33 = arith.addi %mul3A_2, %add3A_32 : i32
    "tpu.region"() ({
      %run_scoped3A = tpu.sem_alloc : memref<!tpu.dma_semaphore, #tpu.memory_space<semaphore_mem>>
      %dma_start3A_52 = arith.constant 0 : i32
      %dma_start3A_53 = tpu.memref_slice %arg8[%add3A_33, %dma_start3A_52] : memref<10240x128xf32, #tpu.memory_space<vmem_shared>> -> memref<128x128xf32, #tpu.memory_space<vmem_shared>>
      %dma_start3A_54 = arith.constant 0 : i32
      %dma_start3A_55 = tpu.memref_slice %arg8[%add3A_33, %dma_start3A_54] : memref<10240x128xf32, #tpu.memory_space<vmem_shared>> -> memref<128x128xf32, #tpu.memory_space<vmem_shared>>
      tpu.enqueue_dma source(%dma_start3A_55 : memref<128x128xf32, #tpu.memory_space<vmem_shared>>) target(%arg7 : memref<128x128xf32, #tpu.memory_space<vmem>>) target_semaphore(%run_scoped3A : memref<!tpu.dma_semaphore, #tpu.memory_space<semaphore_mem>>)
      %dma_wait3A = arith.constant 0 : i32
      %dma_wait3A_56 = tpu.memref_slice %arg8[%add3A_33, %dma_wait3A] : memref<10240x128xf32, #tpu.memory_space<vmem_shared>> -> memref<128x128xf32, #tpu.memory_space<vmem_shared>>
      %dma_wait3A_57 = arith.constant 0 : i32
      %dma_wait3A_58 = tpu.memref_slice %arg8[%add3A_33, %dma_wait3A_57] : memref<10240x128xf32, #tpu.memory_space<vmem_shared>> -> memref<128x128xf32, #tpu.memory_space<vmem_shared>>
      tpu.wait_dma2 semaphore(%run_scoped3A : memref<!tpu.dma_semaphore, #tpu.memory_space<semaphore_mem>>) src(%dma_wait3A_58 : memref<128x128xf32, #tpu.memory_space<vmem_shared>>) dst(%arg7 : memref<128x128xf32, #tpu.memory_space<vmem>>)
      tpu.yield
    }) : () -> ()
    %add3A_34 = arith.constant 0 : i32
    %add3A_35 = arith.addi %mul3A_2, %add3A_34 : i32
    "tpu.region"() ({
      %run_scoped3A = tpu.sem_alloc : memref<!tpu.dma_semaphore, #tpu.memory_space<semaphore_mem>>
      %dma_start3A_52 = arith.constant 0 : i32
      %dma_start3A_53 = tpu.memref_slice %arg5[%arg0, %add3A_35, %dma_start3A_52] : memref<2x10240x128xf32, #tpu.memory_space<hbm>> -> memref<1x128x128xf32, #tpu.memory_space<hbm>>
      %dma_start3A_54 = tpu.memref_squeeze %dma_start3A_53 : memref<1x128x128xf32, #tpu.memory_space<hbm>> -> memref<128x128xf32, #tpu.memory_space<hbm>>
      %dma_start3A_55 = arith.constant 0 : i32
      %dma_start3A_56 = tpu.memref_slice %arg5[%arg0, %add3A_35, %dma_start3A_55] : memref<2x10240x128xf32, #tpu.memory_space<hbm>> -> memref<1x128x128xf32, #tpu.memory_space<hbm>>
      %dma_start3A_57 = tpu.memref_squeeze %dma_start3A_56 : memref<1x128x128xf32, #tpu.memory_space<hbm>> -> memref<128x128xf32, #tpu.memory_space<hbm>>
      tpu.enqueue_dma source(%arg7 : memref<128x128xf32, #tpu.memory_space<vmem>>) target(%dma_start3A_57 : memref<128x128xf32, #tpu.memory_space<hbm>>) target_semaphore(%run_scoped3A : memref<!tpu.dma_semaphore, #tpu.memory_space<semaphore_mem>>)
      %dma_wait3A = arith.constant 0 : i32
      %dma_wait3A_58 = tpu.memref_slice %arg5[%arg0, %add3A_35, %dma_wait3A] : memref<2x10240x128xf32, #tpu.memory_space<hbm>> -> memref<1x128x128xf32, #tpu.memory_space<hbm>>
      %dma_wait3A_59 = tpu.memref_squeeze %dma_wait3A_58 : memref<1x128x128xf32, #tpu.memory_space<hbm>> -> memref<128x128xf32, #tpu.memory_space<hbm>>
      %dma_wait3A_60 = arith.constant 0 : i32
      %dma_wait3A_61 = tpu.memref_slice %arg5[%arg0, %add3A_35, %dma_wait3A_60] : memref<2x10240x128xf32, #tpu.memory_space<hbm>> -> memref<1x128x128xf32, #tpu.memory_space<hbm>>
      %dma_wait3A_62 = tpu.memref_squeeze %dma_wait3A_61 : memref<1x128x128xf32, #tpu.memory_space<hbm>> -> memref<128x128xf32, #tpu.memory_space<hbm>>
      tpu.wait_dma2 semaphore(%run_scoped3A : memref<!tpu.dma_semaphore, #tpu.memory_space<semaphore_mem>>) src(%arg7 : memref<128x128xf32, #tpu.memory_space<vmem>>) dst(%dma_wait3A_62 : memref<128x128xf32, #tpu.memory_space<hbm>>)
      tpu.yield
    }) : () -> ()
    %add3A_36 = arith.constant 128 : i32
    %add3A_37 = arith.addi %mul3A_2, %add3A_36 : i32
    "tpu.region"() ({
      %run_scoped3A = tpu.sem_alloc : memref<!tpu.dma_semaphore, #tpu.memory_space<semaphore_mem>>
      %dma_start3A_52 = arith.constant 0 : i32
      %dma_start3A_53 = tpu.memref_slice %arg8[%add3A_37, %dma_start3A_52] : memref<10240x128xf32, #tpu.memory_space<vmem_shared>> -> memref<128x128xf32, #tpu.memory_space<vmem_shared>>
      %dma_start3A_54 = arith.constant 0 : i32
      %dma_start3A_55 = tpu.memref_slice %arg8[%add3A_37, %dma_start3A_54] : memref<10240x128xf32, #tpu.memory_space<vmem_shared>> -> memref<128x128xf32, #tpu.memory_space<vmem_shared>>
      tpu.enqueue_dma source(%dma_start3A_55 : memref<128x128xf32, #tpu.memory_space<vmem_shared>>) target(%arg7 : memref<128x128xf32, #tpu.memory_space<vmem>>) target_semaphore(%run_scoped3A : memref<!tpu.dma_semaphore, #tpu.memory_space<semaphore_mem>>)
      %dma_wait3A = arith.constant 0 : i32
      %dma_wait3A_56 = tpu.memref_slice %arg8[%add3A_37, %dma_wait3A] : memref<10240x128xf32, #tpu.memory_space<vmem_shared>> -> memref<128x128xf32, #tpu.memory_space<vmem_shared>>
      %dma_wait3A_57 = arith.constant 0 : i32
      %dma_wait3A_58 = tpu.memref_slice %arg8[%add3A_37, %dma_wait3A_57] : memref<10240x128xf32, #tpu.memory_space<vmem_shared>> -> memref<128x128xf32, #tpu.memory_space<vmem_shared>>
      tpu.wait_dma2 semaphore(%run_scoped3A : memref<!tpu.dma_semaphore, #tpu.memory_space<semaphore_mem>>) src(%dma_wait3A_58 : memref<128x128xf32, #tpu.memory_space<vmem_shared>>) dst(%arg7 : memref<128x128xf32, #tpu.memory_space<vmem>>)
      tpu.yield
    }) : () -> ()
    %add3A_38 = arith.constant 128 : i32
    %add3A_39 = arith.addi %mul3A_2, %add3A_38 : i32
    "tpu.region"() ({
      %run_scoped3A = tpu.sem_alloc : memref<!tpu.dma_semaphore, #tpu.memory_space<semaphore_mem>>
      %dma_start3A_52 = arith.constant 0 : i32
      %dma_start3A_53 = tpu.memref_slice %arg5[%arg0, %add3A_39, %dma_start3A_52] : memref<2x10240x128xf32, #tpu.memory_space<hbm>> -> memref<1x128x128xf32, #tpu.memory_space<hbm>>
      %dma_start3A_54 = tpu.memref_squeeze %dma_start3A_53 : memref<1x128x128xf32, #tpu.memory_space<hbm>> -> memref<128x128xf32, #tpu.memory_space<hbm>>
      %dma_start3A_55 = arith.constant 0 : i32
      %dma_start3A_56 = tpu.memref_slice %arg5[%arg0, %add3A_39, %dma_start3A_55] : memref<2x10240x128xf32, #tpu.memory_space<hbm>> -> memref<1x128x128xf32, #tpu.memory_space<hbm>>
      %dma_start3A_57 = tpu.memref_squeeze %dma_start3A_56 : memref<1x128x128xf32, #tpu.memory_space<hbm>> -> memref<128x128xf32, #tpu.memory_space<hbm>>
      tpu.enqueue_dma source(%arg7 : memref<128x128xf32, #tpu.memory_space<vmem>>) target(%dma_start3A_57 : memref<128x128xf32, #tpu.memory_space<hbm>>) target_semaphore(%run_scoped3A : memref<!tpu.dma_semaphore, #tpu.memory_space<semaphore_mem>>)
      %dma_wait3A = arith.constant 0 : i32
      %dma_wait3A_58 = tpu.memref_slice %arg5[%arg0, %add3A_39, %dma_wait3A] : memref<2x10240x128xf32, #tpu.memory_space<hbm>> -> memref<1x128x128xf32, #tpu.memory_space<hbm>>
      %dma_wait3A_59 = tpu.memref_squeeze %dma_wait3A_58 : memref<1x128x128xf32, #tpu.memory_space<hbm>> -> memref<128x128xf32, #tpu.memory_space<hbm>>
      %dma_wait3A_60 = arith.constant 0 : i32
      %dma_wait3A_61 = tpu.memref_slice %arg5[%arg0, %add3A_39, %dma_wait3A_60] : memref<2x10240x128xf32, #tpu.memory_space<hbm>> -> memref<1x128x128xf32, #tpu.memory_space<hbm>>
      %dma_wait3A_62 = tpu.memref_squeeze %dma_wait3A_61 : memref<1x128x128xf32, #tpu.memory_space<hbm>> -> memref<128x128xf32, #tpu.memory_space<hbm>>
      tpu.wait_dma2 semaphore(%run_scoped3A : memref<!tpu.dma_semaphore, #tpu.memory_space<semaphore_mem>>) src(%arg7 : memref<128x128xf32, #tpu.memory_space<vmem>>) dst(%dma_wait3A_62 : memref<128x128xf32, #tpu.memory_space<hbm>>)
      tpu.yield
    }) : () -> ()
    %add3A_40 = arith.constant 256 : i32
    %add3A_41 = arith.addi %mul3A_2, %add3A_40 : i32
    "tpu.region"() ({
      %run_scoped3A = tpu.sem_alloc : memref<!tpu.dma_semaphore, #tpu.memory_space<semaphore_mem>>
      %dma_start3A_52 = arith.constant 0 : i32
      %dma_start3A_53 = tpu.memref_slice %arg8[%add3A_41, %dma_start3A_52] : memref<10240x128xf32, #tpu.memory_space<vmem_shared>> -> memref<128x128xf32, #tpu.memory_space<vmem_shared>>
      %dma_start3A_54 = arith.constant 0 : i32
      %dma_start3A_55 = tpu.memref_slice %arg8[%add3A_41, %dma_start3A_54] : memref<10240x128xf32, #tpu.memory_space<vmem_shared>> -> memref<128x128xf32, #tpu.memory_space<vmem_shared>>
      tpu.enqueue_dma source(%dma_start3A_55 : memref<128x128xf32, #tpu.memory_space<vmem_shared>>) target(%arg7 : memref<128x128xf32, #tpu.memory_space<vmem>>) target_semaphore(%run_scoped3A : memref<!tpu.dma_semaphore, #tpu.memory_space<semaphore_mem>>)
      %dma_wait3A = arith.constant 0 : i32
      %dma_wait3A_56 = tpu.memref_slice %arg8[%add3A_41, %dma_wait3A] : memref<10240x128xf32, #tpu.memory_space<vmem_shared>> -> memref<128x128xf32, #tpu.memory_space<vmem_shared>>
      %dma_wait3A_57 = arith.constant 0 : i32
      %dma_wait3A_58 = tpu.memref_slice %arg8[%add3A_41, %dma_wait3A_57] : memref<10240x128xf32, #tpu.memory_space<vmem_shared>> -> memref<128x128xf32, #tpu.memory_space<vmem_shared>>
      tpu.wait_dma2 semaphore(%run_scoped3A : memref<!tpu.dma_semaphore, #tpu.memory_space<semaphore_mem>>) src(%dma_wait3A_58 : memref<128x128xf32, #tpu.memory_space<vmem_shared>>) dst(%arg7 : memref<128x128xf32, #tpu.memory_space<vmem>>)
      tpu.yield
    }) : () -> ()
    %add3A_42 = arith.constant 256 : i32
    %add3A_43 = arith.addi %mul3A_2, %add3A_42 : i32
    "tpu.region"() ({
      %run_scoped3A = tpu.sem_alloc : memref<!tpu.dma_semaphore, #tpu.memory_space<semaphore_mem>>
      %dma_start3A_52 = arith.constant 0 : i32
      %dma_start3A_53 = tpu.memref_slice %arg5[%arg0, %add3A_43, %dma_start3A_52] : memref<2x10240x128xf32, #tpu.memory_space<hbm>> -> memref<1x128x128xf32, #tpu.memory_space<hbm>>
      %dma_start3A_54 = tpu.memref_squeeze %dma_start3A_53 : memref<1x128x128xf32, #tpu.memory_space<hbm>> -> memref<128x128xf32, #tpu.memory_space<hbm>>
      %dma_start3A_55 = arith.constant 0 : i32
      %dma_start3A_56 = tpu.memref_slice %arg5[%arg0, %add3A_43, %dma_start3A_55] : memref<2x10240x128xf32, #tpu.memory_space<hbm>> -> memref<1x128x128xf32, #tpu.memory_space<hbm>>
      %dma_start3A_57 = tpu.memref_squeeze %dma_start3A_56 : memref<1x128x128xf32, #tpu.memory_space<hbm>> -> memref<128x128xf32, #tpu.memory_space<hbm>>
      tpu.enqueue_dma source(%arg7 : memref<128x128xf32, #tpu.memory_space<vmem>>) target(%dma_start3A_57 : memref<128x128xf32, #tpu.memory_space<hbm>>) target_semaphore(%run_scoped3A : memref<!tpu.dma_semaphore, #tpu.memory_space<semaphore_mem>>)
      %dma_wait3A = arith.constant 0 : i32
      %dma_wait3A_58 = tpu.memref_slice %arg5[%arg0, %add3A_43, %dma_wait3A] : memref<2x10240x128xf32, #tpu.memory_space<hbm>> -> memref<1x128x128xf32, #tpu.memory_space<hbm>>
      %dma_wait3A_59 = tpu.memref_squeeze %dma_wait3A_58 : memref<1x128x128xf32, #tpu.memory_space<hbm>> -> memref<128x128xf32, #tpu.memory_space<hbm>>
      %dma_wait3A_60 = arith.constant 0 : i32
      %dma_wait3A_61 = tpu.memref_slice %arg5[%arg0, %add3A_43, %dma_wait3A_60] : memref<2x10240x128xf32, #tpu.memory_space<hbm>> -> memref<1x128x128xf32, #tpu.memory_space<hbm>>
      %dma_wait3A_62 = tpu.memref_squeeze %dma_wait3A_61 : memref<1x128x128xf32, #tpu.memory_space<hbm>> -> memref<128x128xf32, #tpu.memory_space<hbm>>
      tpu.wait_dma2 semaphore(%run_scoped3A : memref<!tpu.dma_semaphore, #tpu.memory_space<semaphore_mem>>) src(%arg7 : memref<128x128xf32, #tpu.memory_space<vmem>>) dst(%dma_wait3A_62 : memref<128x128xf32, #tpu.memory_space<hbm>>)
      tpu.yield
    }) : () -> ()
    %add3A_44 = arith.constant 384 : i32
    %add3A_45 = arith.addi %mul3A_2, %add3A_44 : i32
    "tpu.region"() ({
      %run_scoped3A = tpu.sem_alloc : memref<!tpu.dma_semaphore, #tpu.memory_space<semaphore_mem>>
      %dma_start3A_52 = arith.constant 0 : i32
      %dma_start3A_53 = tpu.memref_slice %arg8[%add3A_45, %dma_start3A_52] : memref<10240x128xf32, #tpu.memory_space<vmem_shared>> -> memref<128x128xf32, #tpu.memory_space<vmem_shared>>
      %dma_start3A_54 = arith.constant 0 : i32
      %dma_start3A_55 = tpu.memref_slice %arg8[%add3A_45, %dma_start3A_54] : memref<10240x128xf32, #tpu.memory_space<vmem_shared>> -> memref<128x128xf32, #tpu.memory_space<vmem_shared>>
      tpu.enqueue_dma source(%dma_start3A_55 : memref<128x128xf32, #tpu.memory_space<vmem_shared>>) target(%arg7 : memref<128x128xf32, #tpu.memory_space<vmem>>) target_semaphore(%run_scoped3A : memref<!tpu.dma_semaphore, #tpu.memory_space<semaphore_mem>>)
      %dma_wait3A = arith.constant 0 : i32
      %dma_wait3A_56 = tpu.memref_slice %arg8[%add3A_45, %dma_wait3A] : memref<10240x128xf32, #tpu.memory_space<vmem_shared>> -> memref<128x128xf32, #tpu.memory_space<vmem_shared>>
      %dma_wait3A_57 = arith.constant 0 : i32
      %dma_wait3A_58 = tpu.memref_slice %arg8[%add3A_45, %dma_wait3A_57] : memref<10240x128xf32, #tpu.memory_space<vmem_shared>> -> memref<128x128xf32, #tpu.memory_space<vmem_shared>>
      tpu.wait_dma2 semaphore(%run_scoped3A : memref<!tpu.dma_semaphore, #tpu.memory_space<semaphore_mem>>) src(%dma_wait3A_58 : memref<128x128xf32, #tpu.memory_space<vmem_shared>>) dst(%arg7 : memref<128x128xf32, #tpu.memory_space<vmem>>)
      tpu.yield
    }) : () -> ()
    %add3A_46 = arith.constant 384 : i32
    %add3A_47 = arith.addi %mul3A_2, %add3A_46 : i32
    "tpu.region"() ({
      %run_scoped3A = tpu.sem_alloc : memref<!tpu.dma_semaphore, #tpu.memory_space<semaphore_mem>>
      %dma_start3A_52 = arith.constant 0 : i32
      %dma_start3A_53 = tpu.memref_slice %arg5[%arg0, %add3A_47, %dma_start3A_52] : memref<2x10240x128xf32, #tpu.memory_space<hbm>> -> memref<1x128x128xf32, #tpu.memory_space<hbm>>
      %dma_start3A_54 = tpu.memref_squeeze %dma_start3A_53 : memref<1x128x128xf32, #tpu.memory_space<hbm>> -> memref<128x128xf32, #tpu.memory_space<hbm>>
      %dma_start3A_55 = arith.constant 0 : i32
      %dma_start3A_56 = tpu.memref_slice %arg5[%arg0, %add3A_47, %dma_start3A_55] : memref<2x10240x128xf32, #tpu.memory_space<hbm>> -> memref<1x128x128xf32, #tpu.memory_space<hbm>>
      %dma_start3A_57 = tpu.memref_squeeze %dma_start3A_56 : memref<1x128x128xf32, #tpu.memory_space<hbm>> -> memref<128x128xf32, #tpu.memory_space<hbm>>
      tpu.enqueue_dma source(%arg7 : memref<128x128xf32, #tpu.memory_space<vmem>>) target(%dma_start3A_57 : memref<128x128xf32, #tpu.memory_space<hbm>>) target_semaphore(%run_scoped3A : memref<!tpu.dma_semaphore, #tpu.memory_space<semaphore_mem>>)
      %dma_wait3A = arith.constant 0 : i32
      %dma_wait3A_58 = tpu.memref_slice %arg5[%arg0, %add3A_47, %dma_wait3A] : memref<2x10240x128xf32, #tpu.memory_space<hbm>> -> memref<1x128x128xf32, #tpu.memory_space<hbm>>
      %dma_wait3A_59 = tpu.memref_squeeze %dma_wait3A_58 : memref<1x128x128xf32, #tpu.memory_space<hbm>> -> memref<128x128xf32, #tpu.memory_space<hbm>>
      %dma_wait3A_60 = arith.constant 0 : i32
      %dma_wait3A_61 = tpu.memref_slice %arg5[%arg0, %add3A_47, %dma_wait3A_60] : memref<2x10240x128xf32, #tpu.memory_space<hbm>> -> memref<1x128x128xf32, #tpu.memory_space<hbm>>
      %dma_wait3A_62 = tpu.memref_squeeze %dma_wait3A_61 : memref<1x128x128xf32, #tpu.memory_space<hbm>> -> memref<128x128xf32, #tpu.memory_space<hbm>>
      tpu.wait_dma2 semaphore(%run_scoped3A : memref<!tpu.dma_semaphore, #tpu.memory_space<semaphore_mem>>) src(%arg7 : memref<128x128xf32, #tpu.memory_space<vmem>>) dst(%dma_wait3A_62 : memref<128x128xf32, #tpu.memory_space<hbm>>)
      tpu.yield
    }) : () -> ()
    %add3A_48 = arith.constant 512 : i32
    %add3A_49 = arith.addi %mul3A_2, %add3A_48 : i32
    "tpu.region"() ({
      %run_scoped3A = tpu.sem_alloc : memref<!tpu.dma_semaphore, #tpu.memory_space<semaphore_mem>>
      %dma_start3A_52 = arith.constant 0 : i32
      %dma_start3A_53 = tpu.memref_slice %arg8[%add3A_49, %dma_start3A_52] : memref<10240x128xf32, #tpu.memory_space<vmem_shared>> -> memref<128x128xf32, #tpu.memory_space<vmem_shared>>
      %dma_start3A_54 = arith.constant 0 : i32
      %dma_start3A_55 = tpu.memref_slice %arg8[%add3A_49, %dma_start3A_54] : memref<10240x128xf32, #tpu.memory_space<vmem_shared>> -> memref<128x128xf32, #tpu.memory_space<vmem_shared>>
      tpu.enqueue_dma source(%dma_start3A_55 : memref<128x128xf32, #tpu.memory_space<vmem_shared>>) target(%arg7 : memref<128x128xf32, #tpu.memory_space<vmem>>) target_semaphore(%run_scoped3A : memref<!tpu.dma_semaphore, #tpu.memory_space<semaphore_mem>>)
      %dma_wait3A = arith.constant 0 : i32
      %dma_wait3A_56 = tpu.memref_slice %arg8[%add3A_49, %dma_wait3A] : memref<10240x128xf32, #tpu.memory_space<vmem_shared>> -> memref<128x128xf32, #tpu.memory_space<vmem_shared>>
      %dma_wait3A_57 = arith.constant 0 : i32
      %dma_wait3A_58 = tpu.memref_slice %arg8[%add3A_49, %dma_wait3A_57] : memref<10240x128xf32, #tpu.memory_space<vmem_shared>> -> memref<128x128xf32, #tpu.memory_space<vmem_shared>>
      tpu.wait_dma2 semaphore(%run_scoped3A : memref<!tpu.dma_semaphore, #tpu.memory_space<semaphore_mem>>) src(%dma_wait3A_58 : memref<128x128xf32, #tpu.memory_space<vmem_shared>>) dst(%arg7 : memref<128x128xf32, #tpu.memory_space<vmem>>)
      tpu.yield
    }) : () -> ()
    %add3A_50 = arith.constant 512 : i32
    %add3A_51 = arith.addi %mul3A_2, %add3A_50 : i32
    "tpu.region"() ({
      %run_scoped3A = tpu.sem_alloc : memref<!tpu.dma_semaphore, #tpu.memory_space<semaphore_mem>>
      %dma_start3A_52 = arith.constant 0 : i32
      %dma_start3A_53 = tpu.memref_slice %arg5[%arg0, %add3A_51, %dma_start3A_52] : memref<2x10240x128xf32, #tpu.memory_space<hbm>> -> memref<1x128x128xf32, #tpu.memory_space<hbm>>
      %dma_start3A_54 = tpu.memref_squeeze %dma_start3A_53 : memref<1x128x128xf32, #tpu.memory_space<hbm>> -> memref<128x128xf32, #tpu.memory_space<hbm>>
      %dma_start3A_55 = arith.constant 0 : i32
      %dma_start3A_56 = tpu.memref_slice %arg5[%arg0, %add3A_51, %dma_start3A_55] : memref<2x10240x128xf32, #tpu.memory_space<hbm>> -> memref<1x128x128xf32, #tpu.memory_space<hbm>>
      %dma_start3A_57 = tpu.memref_squeeze %dma_start3A_56 : memref<1x128x128xf32, #tpu.memory_space<hbm>> -> memref<128x128xf32, #tpu.memory_space<hbm>>
      tpu.enqueue_dma source(%arg7 : memref<128x128xf32, #tpu.memory_space<vmem>>) target(%dma_start3A_57 : memref<128x128xf32, #tpu.memory_space<hbm>>) target_semaphore(%run_scoped3A : memref<!tpu.dma_semaphore, #tpu.memory_space<semaphore_mem>>)
      %dma_wait3A = arith.constant 0 : i32
      %dma_wait3A_58 = tpu.memref_slice %arg5[%arg0, %add3A_51, %dma_wait3A] : memref<2x10240x128xf32, #tpu.memory_space<hbm>> -> memref<1x128x128xf32, #tpu.memory_space<hbm>>
      %dma_wait3A_59 = tpu.memref_squeeze %dma_wait3A_58 : memref<1x128x128xf32, #tpu.memory_space<hbm>> -> memref<128x128xf32, #tpu.memory_space<hbm>>
      %dma_wait3A_60 = arith.constant 0 : i32
      %dma_wait3A_61 = tpu.memref_slice %arg5[%arg0, %add3A_51, %dma_wait3A_60] : memref<2x10240x128xf32, #tpu.memory_space<hbm>> -> memref<1x128x128xf32, #tpu.memory_space<hbm>>
      %dma_wait3A_62 = tpu.memref_squeeze %dma_wait3A_61 : memref<1x128x128xf32, #tpu.memory_space<hbm>> -> memref<128x128xf32, #tpu.memory_space<hbm>>
      tpu.wait_dma2 semaphore(%run_scoped3A : memref<!tpu.dma_semaphore, #tpu.memory_space<semaphore_mem>>) src(%arg7 : memref<128x128xf32, #tpu.memory_space<vmem>>) dst(%dma_wait3A_62 : memref<128x128xf32, #tpu.memory_space<hbm>>)
      tpu.yield
    }) : () -> ()
    return
  }
}

#map = affine_map<(d0, d1) -> (0, 0)>
#map1 = affine_map<(d0, d1) -> (0, 0, 0)>
module attributes {stable_mosaic.version = 14 : i64} {
  func.func @_sc_sum(%arg0: i32, %arg1: i32, %arg2: memref<2560x128xi32, #tpu.memory_space<hbm>>, %arg3: memref<2560x128xi32, #tpu.memory_space<hbm>>, %arg4: memref<10000x128xf32, #tpu.memory_space<hbm>>, %arg5: memref<128x128xf32, #tpu.memory_space<hbm>>, %arg6: memref<2x10240x128xf32, #tpu.memory_space<hbm>>, %arg7: memref<2x128xi32, #tpu.memory_space<vmem>>, %arg8: memref<2x128xi32, #tpu.memory_space<vmem>>, %arg9: memref<1x128x128xf32, #tpu.memory_space<vmem>>, %arg10: memref<10240x128xf32, #tpu.memory_space<vmem_shared>>, %arg11: memref<!tpu.dma_semaphore, #tpu.memory_space<semaphore_mem>>, %arg12: memref<!tpu.dma_semaphore, #tpu.memory_space<semaphore_mem>>, %arg13: memref<!tpu.dma_semaphore, #tpu.memory_space<semaphore_mem>>) attributes {dimension_semantics = [#tpu.dimension_semantics<core_parallel>, #tpu.dimension_semantics<subcore_parallel>], iteration_bounds = array<i64: 2, 16>, scalar_prefetch = 0 : i64, scratch_operands = 7 : i64, tpu.core_type = #tpu.core_type<sc_vector_subcore>, window_params = [{transform_indices = #map}, {transform_indices = #map}, {transform_indices = #map}, {transform_indices = #map}, {transform_indices = #map1}]} {
    %mul3A = arith.constant 2 : i32
    %mul3A_0 = arith.muli %arg1, %mul3A : i32
    %add3A = arith.addi %mul3A_0, %arg0 : i32
    %mul3A_1 = arith.constant 640 : i32
    %mul3A_2 = arith.muli %arg1, %mul3A_1 : i32
    %run_scoped3A = arith.constant 0 : i32
    "tpu.region"() ({
      %run_scoped3A_79 = tpu.sem_alloc : memref<!tpu.dma_semaphore, #tpu.memory_space<semaphore_mem>>
      %dma_start3A_80 = arith.constant 0 : i32
      %dma_start3A_81 = arith.constant 0 : i32
      %dma_start3A_82 = tpu.memref_slice %arg9[%run_scoped3A, %dma_start3A_80, %dma_start3A_81] : memref<1x128x128xf32, #tpu.memory_space<vmem>> -> memref<1x128x128xf32, #tpu.memory_space<vmem>>
      %dma_start3A_83 = tpu.memref_squeeze %dma_start3A_82 : memref<1x128x128xf32, #tpu.memory_space<vmem>> -> memref<128x128xf32, #tpu.memory_space<vmem>>
      %dma_start3A_84 = arith.constant 0 : i32
      %dma_start3A_85 = arith.constant 0 : i32
      %dma_start3A_86 = tpu.memref_slice %arg9[%run_scoped3A, %dma_start3A_84, %dma_start3A_85] : memref<1x128x128xf32, #tpu.memory_space<vmem>> -> memref<1x128x128xf32, #tpu.memory_space<vmem>>
      %dma_start3A_87 = tpu.memref_squeeze %dma_start3A_86 : memref<1x128x128xf32, #tpu.memory_space<vmem>> -> memref<128x128xf32, #tpu.memory_space<vmem>>
      tpu.enqueue_dma source(%arg5 : memref<128x128xf32, #tpu.memory_space<hbm>>) target(%dma_start3A_87 : memref<128x128xf32, #tpu.memory_space<vmem>>) target_semaphore(%run_scoped3A_79 : memref<!tpu.dma_semaphore, #tpu.memory_space<semaphore_mem>>)
      %dma_wait3A = arith.constant 0 : i32
      %dma_wait3A_88 = arith.constant 0 : i32
      %dma_wait3A_89 = tpu.memref_slice %arg9[%run_scoped3A, %dma_wait3A, %dma_wait3A_88] : memref<1x128x128xf32, #tpu.memory_space<vmem>> -> memref<1x128x128xf32, #tpu.memory_space<vmem>>
      %dma_wait3A_90 = tpu.memref_squeeze %dma_wait3A_89 : memref<1x128x128xf32, #tpu.memory_space<vmem>> -> memref<128x128xf32, #tpu.memory_space<vmem>>
      %dma_wait3A_91 = arith.constant 0 : i32
      %dma_wait3A_92 = arith.constant 0 : i32
      %dma_wait3A_93 = tpu.memref_slice %arg9[%run_scoped3A, %dma_wait3A_91, %dma_wait3A_92] : memref<1x128x128xf32, #tpu.memory_space<vmem>> -> memref<1x128x128xf32, #tpu.memory_space<vmem>>
      %dma_wait3A_94 = tpu.memref_squeeze %dma_wait3A_93 : memref<1x128x128xf32, #tpu.memory_space<vmem>> -> memref<128x128xf32, #tpu.memory_space<vmem>>
      tpu.wait_dma2 semaphore(%run_scoped3A_79 : memref<!tpu.dma_semaphore, #tpu.memory_space<semaphore_mem>>) src(%arg5 : memref<128x128xf32, #tpu.memory_space<hbm>>) dst(%dma_wait3A_94 : memref<128x128xf32, #tpu.memory_space<vmem>>)
      tpu.yield
    }) : () -> ()
    %add3A_3 = arith.constant 0 : i32
    %add3A_4 = arith.addi %mul3A_2, %add3A_3 : i32
    %run_scoped3A_5 = arith.constant 0 : i32
    "tpu.region"() ({
      %run_scoped3A_79 = tpu.sem_alloc : memref<!tpu.dma_semaphore, #tpu.memory_space<semaphore_mem>>
      %dma_start3A_80 = arith.constant 0 : i32
      %dma_start3A_81 = arith.constant 0 : i32
      %dma_start3A_82 = tpu.memref_slice %arg9[%run_scoped3A_5, %dma_start3A_80, %dma_start3A_81] : memref<1x128x128xf32, #tpu.memory_space<vmem>> -> memref<1x128x128xf32, #tpu.memory_space<vmem>>
      %dma_start3A_83 = tpu.memref_squeeze %dma_start3A_82 : memref<1x128x128xf32, #tpu.memory_space<vmem>> -> memref<128x128xf32, #tpu.memory_space<vmem>>
      %dma_start3A_84 = arith.constant 0 : i32
      %dma_start3A_85 = tpu.memref_slice %arg10[%add3A_4, %dma_start3A_84] : memref<10240x128xf32, #tpu.memory_space<vmem_shared>> -> memref<128x128xf32, #tpu.memory_space<vmem_shared>>
      %dma_start3A_86 = arith.constant 0 : i32
      %dma_start3A_87 = tpu.memref_slice %arg10[%add3A_4, %dma_start3A_86] : memref<10240x128xf32, #tpu.memory_space<vmem_shared>> -> memref<128x128xf32, #tpu.memory_space<vmem_shared>>
      %dma_start3A_88 = arith.constant 0 : i32
      %dma_start3A_89 = arith.constant 0 : i32
      %dma_start3A_90 = tpu.memref_slice %arg9[%run_scoped3A_5, %dma_start3A_88, %dma_start3A_89] : memref<1x128x128xf32, #tpu.memory_space<vmem>> -> memref<1x128x128xf32, #tpu.memory_space<vmem>>
      %dma_start3A_91 = tpu.memref_squeeze %dma_start3A_90 : memref<1x128x128xf32, #tpu.memory_space<vmem>> -> memref<128x128xf32, #tpu.memory_space<vmem>>
      tpu.enqueue_dma source(%dma_start3A_91 : memref<128x128xf32, #tpu.memory_space<vmem>>) target(%dma_start3A_87 : memref<128x128xf32, #tpu.memory_space<vmem_shared>>) target_semaphore(%run_scoped3A_79 : memref<!tpu.dma_semaphore, #tpu.memory_space<semaphore_mem>>)
      %dma_wait3A = arith.constant 0 : i32
      %dma_wait3A_92 = arith.constant 0 : i32
      %dma_wait3A_93 = tpu.memref_slice %arg9[%run_scoped3A_5, %dma_wait3A, %dma_wait3A_92] : memref<1x128x128xf32, #tpu.memory_space<vmem>> -> memref<1x128x128xf32, #tpu.memory_space<vmem>>
      %dma_wait3A_94 = tpu.memref_squeeze %dma_wait3A_93 : memref<1x128x128xf32, #tpu.memory_space<vmem>> -> memref<128x128xf32, #tpu.memory_space<vmem>>
      %dma_wait3A_95 = arith.constant 0 : i32
      %dma_wait3A_96 = tpu.memref_slice %arg10[%add3A_4, %dma_wait3A_95] : memref<10240x128xf32, #tpu.memory_space<vmem_shared>> -> memref<128x128xf32, #tpu.memory_space<vmem_shared>>
      %dma_wait3A_97 = arith.constant 0 : i32
      %dma_wait3A_98 = tpu.memref_slice %arg10[%add3A_4, %dma_wait3A_97] : memref<10240x128xf32, #tpu.memory_space<vmem_shared>> -> memref<128x128xf32, #tpu.memory_space<vmem_shared>>
      %dma_wait3A_99 = arith.constant 0 : i32
      %dma_wait3A_100 = arith.constant 0 : i32
      %dma_wait3A_101 = tpu.memref_slice %arg9[%run_scoped3A_5, %dma_wait3A_99, %dma_wait3A_100] : memref<1x128x128xf32, #tpu.memory_space<vmem>> -> memref<1x128x128xf32, #tpu.memory_space<vmem>>
      %dma_wait3A_102 = tpu.memref_squeeze %dma_wait3A_101 : memref<1x128x128xf32, #tpu.memory_space<vmem>> -> memref<128x128xf32, #tpu.memory_space<vmem>>
      tpu.wait_dma2 semaphore(%run_scoped3A_79 : memref<!tpu.dma_semaphore, #tpu.memory_space<semaphore_mem>>) src(%dma_wait3A_102 : memref<128x128xf32, #tpu.memory_space<vmem>>) dst(%dma_wait3A_98 : memref<128x128xf32, #tpu.memory_space<vmem_shared>>)
      tpu.yield
    }) : () -> ()
    %add3A_6 = arith.constant 128 : i32
    %add3A_7 = arith.addi %mul3A_2, %add3A_6 : i32
    %run_scoped3A_8 = arith.constant 0 : i32
    "tpu.region"() ({
      %run_scoped3A_79 = tpu.sem_alloc : memref<!tpu.dma_semaphore, #tpu.memory_space<semaphore_mem>>
      %dma_start3A_80 = arith.constant 0 : i32
      %dma_start3A_81 = arith.constant 0 : i32
      %dma_start3A_82 = tpu.memref_slice %arg9[%run_scoped3A_8, %dma_start3A_80, %dma_start3A_81] : memref<1x128x128xf32, #tpu.memory_space<vmem>> -> memref<1x128x128xf32, #tpu.memory_space<vmem>>
      %dma_start3A_83 = tpu.memref_squeeze %dma_start3A_82 : memref<1x128x128xf32, #tpu.memory_space<vmem>> -> memref<128x128xf32, #tpu.memory_space<vmem>>
      %dma_start3A_84 = arith.constant 0 : i32
      %dma_start3A_85 = tpu.memref_slice %arg10[%add3A_7, %dma_start3A_84] : memref<10240x128xf32, #tpu.memory_space<vmem_shared>> -> memref<128x128xf32, #tpu.memory_space<vmem_shared>>
      %dma_start3A_86 = arith.constant 0 : i32
      %dma_start3A_87 = tpu.memref_slice %arg10[%add3A_7, %dma_start3A_86] : memref<10240x128xf32, #tpu.memory_space<vmem_shared>> -> memref<128x128xf32, #tpu.memory_space<vmem_shared>>
      %dma_start3A_88 = arith.constant 0 : i32
      %dma_start3A_89 = arith.constant 0 : i32
      %dma_start3A_90 = tpu.memref_slice %arg9[%run_scoped3A_8, %dma_start3A_88, %dma_start3A_89] : memref<1x128x128xf32, #tpu.memory_space<vmem>> -> memref<1x128x128xf32, #tpu.memory_space<vmem>>
      %dma_start3A_91 = tpu.memref_squeeze %dma_start3A_90 : memref<1x128x128xf32, #tpu.memory_space<vmem>> -> memref<128x128xf32, #tpu.memory_space<vmem>>
      tpu.enqueue_dma source(%dma_start3A_91 : memref<128x128xf32, #tpu.memory_space<vmem>>) target(%dma_start3A_87 : memref<128x128xf32, #tpu.memory_space<vmem_shared>>) target_semaphore(%run_scoped3A_79 : memref<!tpu.dma_semaphore, #tpu.memory_space<semaphore_mem>>)
      %dma_wait3A = arith.constant 0 : i32
      %dma_wait3A_92 = arith.constant 0 : i32
      %dma_wait3A_93 = tpu.memref_slice %arg9[%run_scoped3A_8, %dma_wait3A, %dma_wait3A_92] : memref<1x128x128xf32, #tpu.memory_space<vmem>> -> memref<1x128x128xf32, #tpu.memory_space<vmem>>
      %dma_wait3A_94 = tpu.memref_squeeze %dma_wait3A_93 : memref<1x128x128xf32, #tpu.memory_space<vmem>> -> memref<128x128xf32, #tpu.memory_space<vmem>>
      %dma_wait3A_95 = arith.constant 0 : i32
      %dma_wait3A_96 = tpu.memref_slice %arg10[%add3A_7, %dma_wait3A_95] : memref<10240x128xf32, #tpu.memory_space<vmem_shared>> -> memref<128x128xf32, #tpu.memory_space<vmem_shared>>
      %dma_wait3A_97 = arith.constant 0 : i32
      %dma_wait3A_98 = tpu.memref_slice %arg10[%add3A_7, %dma_wait3A_97] : memref<10240x128xf32, #tpu.memory_space<vmem_shared>> -> memref<128x128xf32, #tpu.memory_space<vmem_shared>>
      %dma_wait3A_99 = arith.constant 0 : i32
      %dma_wait3A_100 = arith.constant 0 : i32
      %dma_wait3A_101 = tpu.memref_slice %arg9[%run_scoped3A_8, %dma_wait3A_99, %dma_wait3A_100] : memref<1x128x128xf32, #tpu.memory_space<vmem>> -> memref<1x128x128xf32, #tpu.memory_space<vmem>>
      %dma_wait3A_102 = tpu.memref_squeeze %dma_wait3A_101 : memref<1x128x128xf32, #tpu.memory_space<vmem>> -> memref<128x128xf32, #tpu.memory_space<vmem>>
      tpu.wait_dma2 semaphore(%run_scoped3A_79 : memref<!tpu.dma_semaphore, #tpu.memory_space<semaphore_mem>>) src(%dma_wait3A_102 : memref<128x128xf32, #tpu.memory_space<vmem>>) dst(%dma_wait3A_98 : memref<128x128xf32, #tpu.memory_space<vmem_shared>>)
      tpu.yield
    }) : () -> ()
    %add3A_9 = arith.constant 256 : i32
    %add3A_10 = arith.addi %mul3A_2, %add3A_9 : i32
    %run_scoped3A_11 = arith.constant 0 : i32
    "tpu.region"() ({
      %run_scoped3A_79 = tpu.sem_alloc : memref<!tpu.dma_semaphore, #tpu.memory_space<semaphore_mem>>
      %dma_start3A_80 = arith.constant 0 : i32
      %dma_start3A_81 = arith.constant 0 : i32
      %dma_start3A_82 = tpu.memref_slice %arg9[%run_scoped3A_11, %dma_start3A_80, %dma_start3A_81] : memref<1x128x128xf32, #tpu.memory_space<vmem>> -> memref<1x128x128xf32, #tpu.memory_space<vmem>>
      %dma_start3A_83 = tpu.memref_squeeze %dma_start3A_82 : memref<1x128x128xf32, #tpu.memory_space<vmem>> -> memref<128x128xf32, #tpu.memory_space<vmem>>
      %dma_start3A_84 = arith.constant 0 : i32
      %dma_start3A_85 = tpu.memref_slice %arg10[%add3A_10, %dma_start3A_84] : memref<10240x128xf32, #tpu.memory_space<vmem_shared>> -> memref<128x128xf32, #tpu.memory_space<vmem_shared>>
      %dma_start3A_86 = arith.constant 0 : i32
      %dma_start3A_87 = tpu.memref_slice %arg10[%add3A_10, %dma_start3A_86] : memref<10240x128xf32, #tpu.memory_space<vmem_shared>> -> memref<128x128xf32, #tpu.memory_space<vmem_shared>>
      %dma_start3A_88 = arith.constant 0 : i32
      %dma_start3A_89 = arith.constant 0 : i32
      %dma_start3A_90 = tpu.memref_slice %arg9[%run_scoped3A_11, %dma_start3A_88, %dma_start3A_89] : memref<1x128x128xf32, #tpu.memory_space<vmem>> -> memref<1x128x128xf32, #tpu.memory_space<vmem>>
      %dma_start3A_91 = tpu.memref_squeeze %dma_start3A_90 : memref<1x128x128xf32, #tpu.memory_space<vmem>> -> memref<128x128xf32, #tpu.memory_space<vmem>>
      tpu.enqueue_dma source(%dma_start3A_91 : memref<128x128xf32, #tpu.memory_space<vmem>>) target(%dma_start3A_87 : memref<128x128xf32, #tpu.memory_space<vmem_shared>>) target_semaphore(%run_scoped3A_79 : memref<!tpu.dma_semaphore, #tpu.memory_space<semaphore_mem>>)
      %dma_wait3A = arith.constant 0 : i32
      %dma_wait3A_92 = arith.constant 0 : i32
      %dma_wait3A_93 = tpu.memref_slice %arg9[%run_scoped3A_11, %dma_wait3A, %dma_wait3A_92] : memref<1x128x128xf32, #tpu.memory_space<vmem>> -> memref<1x128x128xf32, #tpu.memory_space<vmem>>
      %dma_wait3A_94 = tpu.memref_squeeze %dma_wait3A_93 : memref<1x128x128xf32, #tpu.memory_space<vmem>> -> memref<128x128xf32, #tpu.memory_space<vmem>>
      %dma_wait3A_95 = arith.constant 0 : i32
      %dma_wait3A_96 = tpu.memref_slice %arg10[%add3A_10, %dma_wait3A_95] : memref<10240x128xf32, #tpu.memory_space<vmem_shared>> -> memref<128x128xf32, #tpu.memory_space<vmem_shared>>
      %dma_wait3A_97 = arith.constant 0 : i32
      %dma_wait3A_98 = tpu.memref_slice %arg10[%add3A_10, %dma_wait3A_97] : memref<10240x128xf32, #tpu.memory_space<vmem_shared>> -> memref<128x128xf32, #tpu.memory_space<vmem_shared>>
      %dma_wait3A_99 = arith.constant 0 : i32
      %dma_wait3A_100 = arith.constant 0 : i32
      %dma_wait3A_101 = tpu.memref_slice %arg9[%run_scoped3A_11, %dma_wait3A_99, %dma_wait3A_100] : memref<1x128x128xf32, #tpu.memory_space<vmem>> -> memref<1x128x128xf32, #tpu.memory_space<vmem>>
      %dma_wait3A_102 = tpu.memref_squeeze %dma_wait3A_101 : memref<1x128x128xf32, #tpu.memory_space<vmem>> -> memref<128x128xf32, #tpu.memory_space<vmem>>
      tpu.wait_dma2 semaphore(%run_scoped3A_79 : memref<!tpu.dma_semaphore, #tpu.memory_space<semaphore_mem>>) src(%dma_wait3A_102 : memref<128x128xf32, #tpu.memory_space<vmem>>) dst(%dma_wait3A_98 : memref<128x128xf32, #tpu.memory_space<vmem_shared>>)
      tpu.yield
    }) : () -> ()
    %add3A_12 = arith.constant 384 : i32
    %add3A_13 = arith.addi %mul3A_2, %add3A_12 : i32
    %run_scoped3A_14 = arith.constant 0 : i32
    "tpu.region"() ({
      %run_scoped3A_79 = tpu.sem_alloc : memref<!tpu.dma_semaphore, #tpu.memory_space<semaphore_mem>>
      %dma_start3A_80 = arith.constant 0 : i32
      %dma_start3A_81 = arith.constant 0 : i32
      %dma_start3A_82 = tpu.memref_slice %arg9[%run_scoped3A_14, %dma_start3A_80, %dma_start3A_81] : memref<1x128x128xf32, #tpu.memory_space<vmem>> -> memref<1x128x128xf32, #tpu.memory_space<vmem>>
      %dma_start3A_83 = tpu.memref_squeeze %dma_start3A_82 : memref<1x128x128xf32, #tpu.memory_space<vmem>> -> memref<128x128xf32, #tpu.memory_space<vmem>>
      %dma_start3A_84 = arith.constant 0 : i32
      %dma_start3A_85 = tpu.memref_slice %arg10[%add3A_13, %dma_start3A_84] : memref<10240x128xf32, #tpu.memory_space<vmem_shared>> -> memref<128x128xf32, #tpu.memory_space<vmem_shared>>
      %dma_start3A_86 = arith.constant 0 : i32
      %dma_start3A_87 = tpu.memref_slice %arg10[%add3A_13, %dma_start3A_86] : memref<10240x128xf32, #tpu.memory_space<vmem_shared>> -> memref<128x128xf32, #tpu.memory_space<vmem_shared>>
      %dma_start3A_88 = arith.constant 0 : i32
      %dma_start3A_89 = arith.constant 0 : i32
      %dma_start3A_90 = tpu.memref_slice %arg9[%run_scoped3A_14, %dma_start3A_88, %dma_start3A_89] : memref<1x128x128xf32, #tpu.memory_space<vmem>> -> memref<1x128x128xf32, #tpu.memory_space<vmem>>
      %dma_start3A_91 = tpu.memref_squeeze %dma_start3A_90 : memref<1x128x128xf32, #tpu.memory_space<vmem>> -> memref<128x128xf32, #tpu.memory_space<vmem>>
      tpu.enqueue_dma source(%dma_start3A_91 : memref<128x128xf32, #tpu.memory_space<vmem>>) target(%dma_start3A_87 : memref<128x128xf32, #tpu.memory_space<vmem_shared>>) target_semaphore(%run_scoped3A_79 : memref<!tpu.dma_semaphore, #tpu.memory_space<semaphore_mem>>)
      %dma_wait3A = arith.constant 0 : i32
      %dma_wait3A_92 = arith.constant 0 : i32
      %dma_wait3A_93 = tpu.memref_slice %arg9[%run_scoped3A_14, %dma_wait3A, %dma_wait3A_92] : memref<1x128x128xf32, #tpu.memory_space<vmem>> -> memref<1x128x128xf32, #tpu.memory_space<vmem>>
      %dma_wait3A_94 = tpu.memref_squeeze %dma_wait3A_93 : memref<1x128x128xf32, #tpu.memory_space<vmem>> -> memref<128x128xf32, #tpu.memory_space<vmem>>
      %dma_wait3A_95 = arith.constant 0 : i32
      %dma_wait3A_96 = tpu.memref_slice %arg10[%add3A_13, %dma_wait3A_95] : memref<10240x128xf32, #tpu.memory_space<vmem_shared>> -> memref<128x128xf32, #tpu.memory_space<vmem_shared>>
      %dma_wait3A_97 = arith.constant 0 : i32
      %dma_wait3A_98 = tpu.memref_slice %arg10[%add3A_13, %dma_wait3A_97] : memref<10240x128xf32, #tpu.memory_space<vmem_shared>> -> memref<128x128xf32, #tpu.memory_space<vmem_shared>>
      %dma_wait3A_99 = arith.constant 0 : i32
      %dma_wait3A_100 = arith.constant 0 : i32
      %dma_wait3A_101 = tpu.memref_slice %arg9[%run_scoped3A_14, %dma_wait3A_99, %dma_wait3A_100] : memref<1x128x128xf32, #tpu.memory_space<vmem>> -> memref<1x128x128xf32, #tpu.memory_space<vmem>>
      %dma_wait3A_102 = tpu.memref_squeeze %dma_wait3A_101 : memref<1x128x128xf32, #tpu.memory_space<vmem>> -> memref<128x128xf32, #tpu.memory_space<vmem>>
      tpu.wait_dma2 semaphore(%run_scoped3A_79 : memref<!tpu.dma_semaphore, #tpu.memory_space<semaphore_mem>>) src(%dma_wait3A_102 : memref<128x128xf32, #tpu.memory_space<vmem>>) dst(%dma_wait3A_98 : memref<128x128xf32, #tpu.memory_space<vmem_shared>>)
      tpu.yield
    }) : () -> ()
    %add3A_15 = arith.constant 512 : i32
    %add3A_16 = arith.addi %mul3A_2, %add3A_15 : i32
    %run_scoped3A_17 = arith.constant 0 : i32
    "tpu.region"() ({
      %run_scoped3A_79 = tpu.sem_alloc : memref<!tpu.dma_semaphore, #tpu.memory_space<semaphore_mem>>
      %dma_start3A_80 = arith.constant 0 : i32
      %dma_start3A_81 = arith.constant 0 : i32
      %dma_start3A_82 = tpu.memref_slice %arg9[%run_scoped3A_17, %dma_start3A_80, %dma_start3A_81] : memref<1x128x128xf32, #tpu.memory_space<vmem>> -> memref<1x128x128xf32, #tpu.memory_space<vmem>>
      %dma_start3A_83 = tpu.memref_squeeze %dma_start3A_82 : memref<1x128x128xf32, #tpu.memory_space<vmem>> -> memref<128x128xf32, #tpu.memory_space<vmem>>
      %dma_start3A_84 = arith.constant 0 : i32
      %dma_start3A_85 = tpu.memref_slice %arg10[%add3A_16, %dma_start3A_84] : memref<10240x128xf32, #tpu.memory_space<vmem_shared>> -> memref<128x128xf32, #tpu.memory_space<vmem_shared>>
      %dma_start3A_86 = arith.constant 0 : i32
      %dma_start3A_87 = tpu.memref_slice %arg10[%add3A_16, %dma_start3A_86] : memref<10240x128xf32, #tpu.memory_space<vmem_shared>> -> memref<128x128xf32, #tpu.memory_space<vmem_shared>>
      %dma_start3A_88 = arith.constant 0 : i32
      %dma_start3A_89 = arith.constant 0 : i32
      %dma_start3A_90 = tpu.memref_slice %arg9[%run_scoped3A_17, %dma_start3A_88, %dma_start3A_89] : memref<1x128x128xf32, #tpu.memory_space<vmem>> -> memref<1x128x128xf32, #tpu.memory_space<vmem>>
      %dma_start3A_91 = tpu.memref_squeeze %dma_start3A_90 : memref<1x128x128xf32, #tpu.memory_space<vmem>> -> memref<128x128xf32, #tpu.memory_space<vmem>>
      tpu.enqueue_dma source(%dma_start3A_91 : memref<128x128xf32, #tpu.memory_space<vmem>>) target(%dma_start3A_87 : memref<128x128xf32, #tpu.memory_space<vmem_shared>>) target_semaphore(%run_scoped3A_79 : memref<!tpu.dma_semaphore, #tpu.memory_space<semaphore_mem>>)
      %dma_wait3A = arith.constant 0 : i32
      %dma_wait3A_92 = arith.constant 0 : i32
      %dma_wait3A_93 = tpu.memref_slice %arg9[%run_scoped3A_17, %dma_wait3A, %dma_wait3A_92] : memref<1x128x128xf32, #tpu.memory_space<vmem>> -> memref<1x128x128xf32, #tpu.memory_space<vmem>>
      %dma_wait3A_94 = tpu.memref_squeeze %dma_wait3A_93 : memref<1x128x128xf32, #tpu.memory_space<vmem>> -> memref<128x128xf32, #tpu.memory_space<vmem>>
      %dma_wait3A_95 = arith.constant 0 : i32
      %dma_wait3A_96 = tpu.memref_slice %arg10[%add3A_16, %dma_wait3A_95] : memref<10240x128xf32, #tpu.memory_space<vmem_shared>> -> memref<128x128xf32, #tpu.memory_space<vmem_shared>>
      %dma_wait3A_97 = arith.constant 0 : i32
      %dma_wait3A_98 = tpu.memref_slice %arg10[%add3A_16, %dma_wait3A_97] : memref<10240x128xf32, #tpu.memory_space<vmem_shared>> -> memref<128x128xf32, #tpu.memory_space<vmem_shared>>
      %dma_wait3A_99 = arith.constant 0 : i32
      %dma_wait3A_100 = arith.constant 0 : i32
      %dma_wait3A_101 = tpu.memref_slice %arg9[%run_scoped3A_17, %dma_wait3A_99, %dma_wait3A_100] : memref<1x128x128xf32, #tpu.memory_space<vmem>> -> memref<1x128x128xf32, #tpu.memory_space<vmem>>
      %dma_wait3A_102 = tpu.memref_squeeze %dma_wait3A_101 : memref<1x128x128xf32, #tpu.memory_space<vmem>> -> memref<128x128xf32, #tpu.memory_space<vmem>>
      tpu.wait_dma2 semaphore(%run_scoped3A_79 : memref<!tpu.dma_semaphore, #tpu.memory_space<semaphore_mem>>) src(%dma_wait3A_102 : memref<128x128xf32, #tpu.memory_space<vmem>>) dst(%dma_wait3A_98 : memref<128x128xf32, #tpu.memory_space<vmem_shared>>)
      tpu.yield
    }) : () -> ()
    %barrier3A = arith.constant 0 : index
    tpu.barrier barrier_id(%barrier3A)
    %mul3A_18 = arith.constant 80 : i32
    %mul3A_19 = arith.muli %add3A, %mul3A_18 : i32
    %add3A_20 = arith.constant 0 : i32
    %add3A_21 = arith.addi %mul3A_19, %add3A_20 : i32
    %dma_start3A = arith.constant 0 : i32
    %dma_start3A_22 = arith.constant 0 : i32
    %dma_start3A_23 = tpu.memref_slice %arg7[%dma_start3A, %dma_start3A_22] : memref<2x128xi32, #tpu.memory_space<vmem>> -> memref<1x128xi32, #tpu.memory_space<vmem>>
    %dma_start3A_24 = arith.constant 0 : i32
    %dma_start3A_25 = tpu.memref_slice %arg2[%add3A_21, %dma_start3A_24] : memref<2560x128xi32, #tpu.memory_space<hbm>> -> memref<1x128xi32, #tpu.memory_space<hbm>>
    %dma_start3A_26 = arith.constant 0 : i32
    %dma_start3A_27 = arith.constant 0 : i32
    %dma_start3A_28 = tpu.memref_slice %arg7[%dma_start3A_26, %dma_start3A_27] : memref<2x128xi32, #tpu.memory_space<vmem>> -> memref<1x128xi32, #tpu.memory_space<vmem>>
    %dma_start3A_29 = arith.constant 0 : i32
    %dma_start3A_30 = tpu.memref_slice %arg2[%add3A_21, %dma_start3A_29] : memref<2560x128xi32, #tpu.memory_space<hbm>> -> memref<1x128xi32, #tpu.memory_space<hbm>>
    tpu.enqueue_dma source(%dma_start3A_30 : memref<1x128xi32, #tpu.memory_space<hbm>>) target(%dma_start3A_28 : memref<1x128xi32, #tpu.memory_space<vmem>>) target_semaphore(%arg11 : memref<!tpu.dma_semaphore, #tpu.memory_space<semaphore_mem>>)
    %add3A_31 = arith.constant 0 : i32
    %add3A_32 = arith.addi %mul3A_19, %add3A_31 : i32
    %dma_start3A_33 = arith.constant 0 : i32
    %dma_start3A_34 = arith.constant 0 : i32
    %dma_start3A_35 = tpu.memref_slice %arg8[%dma_start3A_33, %dma_start3A_34] : memref<2x128xi32, #tpu.memory_space<vmem>> -> memref<1x128xi32, #tpu.memory_space<vmem>>
    %dma_start3A_36 = arith.constant 0 : i32
    %dma_start3A_37 = tpu.memref_slice %arg3[%add3A_32, %dma_start3A_36] : memref<2560x128xi32, #tpu.memory_space<hbm>> -> memref<1x128xi32, #tpu.memory_space<hbm>>
    %dma_start3A_38 = arith.constant 0 : i32
    %dma_start3A_39 = arith.constant 0 : i32
    %dma_start3A_40 = tpu.memref_slice %arg8[%dma_start3A_38, %dma_start3A_39] : memref<2x128xi32, #tpu.memory_space<vmem>> -> memref<1x128xi32, #tpu.memory_space<vmem>>
    %dma_start3A_41 = arith.constant 0 : i32
    %dma_start3A_42 = tpu.memref_slice %arg3[%add3A_32, %dma_start3A_41] : memref<2560x128xi32, #tpu.memory_space<hbm>> -> memref<1x128xi32, #tpu.memory_space<hbm>>
    tpu.enqueue_dma source(%dma_start3A_42 : memref<1x128xi32, #tpu.memory_space<hbm>>) target(%dma_start3A_40 : memref<1x128xi32, #tpu.memory_space<vmem>>) target_semaphore(%arg11 : memref<!tpu.dma_semaphore, #tpu.memory_space<semaphore_mem>>)
    %scan3A = arith.constant 0 : i32
    %scan3A_43 = arith.constant 0 : i32
    %scan3A_44 = arith.constant 40 : i32
    %scan3A_45 = arith.addi %scan3A_43, %scan3A_44 : i32
    %scan3A_46 = arith.constant 1 : i32
    scf.for %scan3A_79 = %scan3A_43 to %scan3A_45 step %scan3A_46  : i32 {
      %mul3A_80 = arith.constant 2 : i32
      %mul3A_81 = arith.muli %mul3A_80, %scan3A_79 : i32
      %dma_wait3A = arith.constant 0 : i32
      %dma_wait3A_82 = arith.constant 0 : i32
      %dma_wait3A_83 = tpu.memref_slice %arg7[%dma_wait3A, %dma_wait3A_82] : memref<2x128xi32, #tpu.memory_space<vmem>> -> memref<1x128xi32, #tpu.memory_space<vmem>>
      %dma_wait3A_84 = arith.constant 0 : i32
      %dma_wait3A_85 = tpu.memref_slice %arg2[%mul3A_19, %dma_wait3A_84] : memref<2560x128xi32, #tpu.memory_space<hbm>> -> memref<1x128xi32, #tpu.memory_space<hbm>>
      %dma_wait3A_86 = arith.constant 0 : i32
      %dma_wait3A_87 = arith.constant 0 : i32
      %dma_wait3A_88 = tpu.memref_slice %arg7[%dma_wait3A_86, %dma_wait3A_87] : memref<2x128xi32, #tpu.memory_space<vmem>> -> memref<1x128xi32, #tpu.memory_space<vmem>>
      %dma_wait3A_89 = arith.constant 0 : i32
      %dma_wait3A_90 = tpu.memref_slice %arg2[%mul3A_19, %dma_wait3A_89] : memref<2560x128xi32, #tpu.memory_space<hbm>> -> memref<1x128xi32, #tpu.memory_space<hbm>>
      tpu.wait_dma2 semaphore(%arg11 : memref<!tpu.dma_semaphore, #tpu.memory_space<semaphore_mem>>) src(%dma_wait3A_90 : memref<1x128xi32, #tpu.memory_space<hbm>>) dst(%dma_wait3A_88 : memref<1x128xi32, #tpu.memory_space<vmem>>)
      %dma_wait3A_91 = arith.constant 0 : i32
      %dma_wait3A_92 = arith.constant 0 : i32
      %dma_wait3A_93 = tpu.memref_slice %arg8[%dma_wait3A_91, %dma_wait3A_92] : memref<2x128xi32, #tpu.memory_space<vmem>> -> memref<1x128xi32, #tpu.memory_space<vmem>>
      %dma_wait3A_94 = arith.constant 0 : i32
      %dma_wait3A_95 = tpu.memref_slice %arg3[%mul3A_19, %dma_wait3A_94] : memref<2560x128xi32, #tpu.memory_space<hbm>> -> memref<1x128xi32, #tpu.memory_space<hbm>>
      %dma_wait3A_96 = arith.constant 0 : i32
      %dma_wait3A_97 = arith.constant 0 : i32
      %dma_wait3A_98 = tpu.memref_slice %arg8[%dma_wait3A_96, %dma_wait3A_97] : memref<2x128xi32, #tpu.memory_space<vmem>> -> memref<1x128xi32, #tpu.memory_space<vmem>>
      %dma_wait3A_99 = arith.constant 0 : i32
      %dma_wait3A_100 = tpu.memref_slice %arg3[%mul3A_19, %dma_wait3A_99] : memref<2560x128xi32, #tpu.memory_space<hbm>> -> memref<1x128xi32, #tpu.memory_space<hbm>>
      tpu.wait_dma2 semaphore(%arg11 : memref<!tpu.dma_semaphore, #tpu.memory_space<semaphore_mem>>) src(%dma_wait3A_100 : memref<1x128xi32, #tpu.memory_space<hbm>>) dst(%dma_wait3A_98 : memref<1x128xi32, #tpu.memory_space<vmem>>)
      %add3A_101 = arith.constant 1 : i32
      %add3A_102 = arith.addi %mul3A_81, %add3A_101 : i32
      %add3A_103 = arith.addi %mul3A_19, %add3A_102 : i32
      %dma_start3A_104 = arith.constant 1 : i32
      %dma_start3A_105 = arith.constant 0 : i32
      %dma_start3A_106 = tpu.memref_slice %arg7[%dma_start3A_104, %dma_start3A_105] : memref<2x128xi32, #tpu.memory_space<vmem>> -> memref<1x128xi32, #tpu.memory_space<vmem>>
      %dma_start3A_107 = arith.constant 0 : i32
      %dma_start3A_108 = tpu.memref_slice %arg2[%add3A_103, %dma_start3A_107] : memref<2560x128xi32, #tpu.memory_space<hbm>> -> memref<1x128xi32, #tpu.memory_space<hbm>>
      %dma_start3A_109 = arith.constant 1 : i32
      %dma_start3A_110 = arith.constant 0 : i32
      %dma_start3A_111 = tpu.memref_slice %arg7[%dma_start3A_109, %dma_start3A_110] : memref<2x128xi32, #tpu.memory_space<vmem>> -> memref<1x128xi32, #tpu.memory_space<vmem>>
      %dma_start3A_112 = arith.constant 0 : i32
      %dma_start3A_113 = tpu.memref_slice %arg2[%add3A_103, %dma_start3A_112] : memref<2560x128xi32, #tpu.memory_space<hbm>> -> memref<1x128xi32, #tpu.memory_space<hbm>>
      tpu.enqueue_dma source(%dma_start3A_113 : memref<1x128xi32, #tpu.memory_space<hbm>>) target(%dma_start3A_111 : memref<1x128xi32, #tpu.memory_space<vmem>>) target_semaphore(%arg12 : memref<!tpu.dma_semaphore, #tpu.memory_space<semaphore_mem>>)
      %add3A_114 = arith.addi %mul3A_19, %add3A_102 : i32
      %dma_start3A_115 = arith.constant 1 : i32
      %dma_start3A_116 = arith.constant 0 : i32
      %dma_start3A_117 = tpu.memref_slice %arg8[%dma_start3A_115, %dma_start3A_116] : memref<2x128xi32, #tpu.memory_space<vmem>> -> memref<1x128xi32, #tpu.memory_space<vmem>>
      %dma_start3A_118 = arith.constant 0 : i32
      %dma_start3A_119 = tpu.memref_slice %arg3[%add3A_114, %dma_start3A_118] : memref<2560x128xi32, #tpu.memory_space<hbm>> -> memref<1x128xi32, #tpu.memory_space<hbm>>
      %dma_start3A_120 = arith.constant 1 : i32
      %dma_start3A_121 = arith.constant 0 : i32
      %dma_start3A_122 = tpu.memref_slice %arg8[%dma_start3A_120, %dma_start3A_121] : memref<2x128xi32, #tpu.memory_space<vmem>> -> memref<1x128xi32, #tpu.memory_space<vmem>>
      %dma_start3A_123 = arith.constant 0 : i32
      %dma_start3A_124 = tpu.memref_slice %arg3[%add3A_114, %dma_start3A_123] : memref<2560x128xi32, #tpu.memory_space<hbm>> -> memref<1x128xi32, #tpu.memory_space<hbm>>
      tpu.enqueue_dma source(%dma_start3A_124 : memref<1x128xi32, #tpu.memory_space<hbm>>) target(%dma_start3A_122 : memref<1x128xi32, #tpu.memory_space<vmem>>) target_semaphore(%arg12 : memref<!tpu.dma_semaphore, #tpu.memory_space<semaphore_mem>>)
      %dma_start3A_125 = arith.constant 0 : i32
      %dma_start3A_126 = arith.constant 0 : i32
      %dma_start3A_127 = arith.constant 0 : i32
      %dma_start3A_128 = arith.constant 0 : i32
      %dma_start3A_129 = tpu.memref_slice %arg9[%dma_start3A_126, %dma_start3A_127, %dma_start3A_128] : memref<1x128x128xf32, #tpu.memory_space<vmem>> -> memref<1x128x128xf32, #tpu.memory_space<vmem>>
      %dma_start3A_130 = tpu.memref_squeeze %dma_start3A_129 : memref<1x128x128xf32, #tpu.memory_space<vmem>> -> memref<128x128xf32, #tpu.memory_space<vmem>>
      %dma_start3A_131 = arith.constant 0 : i32
      %dma_start3A_132 = tpu.memref_slice %arg7[%dma_start3A_125, %dma_start3A_131] : memref<2x128xi32, #tpu.memory_space<vmem>> -> memref<1x128xi32, #tpu.memory_space<vmem>>
      %dma_start3A_133 = tpu.memref_squeeze %dma_start3A_132 : memref<1x128xi32, #tpu.memory_space<vmem>> -> memref<128xi32, #tpu.memory_space<vmem>>
      %dma_start3A_134 = arith.constant 0 : i32
      %dma_start3A_135 = arith.constant 0 : i32
      %dma_start3A_136 = tpu.memref_slice %arg4[%dma_start3A_134, %dma_start3A_135] : memref<10000x128xf32, #tpu.memory_space<hbm>> -> memref<10000x128xf32, #tpu.memory_space<hbm>>
      tpu.enqueue_indirect_dma source(%dma_start3A_136 : memref<10000x128xf32, #tpu.memory_space<hbm>>) target(%dma_start3A_130 : memref<128x128xf32, #tpu.memory_space<vmem>>) offsets(%dma_start3A_133 : memref<128xi32, #tpu.memory_space<vmem>>) semaphore(%arg13 : memref<!tpu.dma_semaphore, #tpu.memory_space<semaphore_mem>>)
      %dma_wait3A_137 = arith.constant 0 : i32
      %dma_wait3A_138 = arith.constant 0 : i32
      %dma_wait3A_139 = arith.constant 0 : i32
      %dma_wait3A_140 = arith.constant 0 : i32
      %dma_wait3A_141 = tpu.memref_slice %arg9[%dma_wait3A_138, %dma_wait3A_139, %dma_wait3A_140] : memref<1x128x128xf32, #tpu.memory_space<vmem>> -> memref<1x128x128xf32, #tpu.memory_space<vmem>>
      %dma_wait3A_142 = tpu.memref_squeeze %dma_wait3A_141 : memref<1x128x128xf32, #tpu.memory_space<vmem>> -> memref<128x128xf32, #tpu.memory_space<vmem>>
      %dma_wait3A_143 = arith.constant 0 : i32
      %dma_wait3A_144 = tpu.memref_slice %arg7[%dma_wait3A_137, %dma_wait3A_143] : memref<2x128xi32, #tpu.memory_space<vmem>> -> memref<1x128xi32, #tpu.memory_space<vmem>>
      %dma_wait3A_145 = tpu.memref_squeeze %dma_wait3A_144 : memref<1x128xi32, #tpu.memory_space<vmem>> -> memref<128xi32, #tpu.memory_space<vmem>>
      %dma_wait3A_146 = arith.constant 0 : i32
      %dma_wait3A_147 = arith.constant 0 : i32
      %dma_wait3A_148 = tpu.memref_slice %arg4[%dma_wait3A_146, %dma_wait3A_147] : memref<10000x128xf32, #tpu.memory_space<hbm>> -> memref<10000x128xf32, #tpu.memory_space<hbm>>
      tpu.wait_indirect_dma semaphore(%arg13 : memref<!tpu.dma_semaphore, #tpu.memory_space<semaphore_mem>>) src(%dma_wait3A_148 : memref<10000x128xf32, #tpu.memory_space<hbm>>) dst(%dma_wait3A_142 : memref<128x128xf32, #tpu.memory_space<vmem>>)
      %run_scoped3A_149 = arith.constant 0 : i32
      %run_scoped3A_150 = arith.constant 0 : i32
      "tpu.region"() ({
        %run_scoped3A_201 = tpu.sem_alloc : memref<!tpu.dma_semaphore, #tpu.memory_space<semaphore_mem>>
        %dma_start3A_202 = arith.constant 0 : i32
        %dma_start3A_203 = arith.constant 0 : i32
        %dma_start3A_204 = tpu.memref_slice %arg9[%run_scoped3A_149, %dma_start3A_202, %dma_start3A_203] : memref<1x128x128xf32, #tpu.memory_space<vmem>> -> memref<1x128x128xf32, #tpu.memory_space<vmem>>
        %dma_start3A_205 = tpu.memref_squeeze %dma_start3A_204 : memref<1x128x128xf32, #tpu.memory_space<vmem>> -> memref<128x128xf32, #tpu.memory_space<vmem>>
        %dma_start3A_206 = arith.constant 0 : i32
        %dma_start3A_207 = tpu.memref_slice %arg8[%run_scoped3A_150, %dma_start3A_206] : memref<2x128xi32, #tpu.memory_space<vmem>> -> memref<1x128xi32, #tpu.memory_space<vmem>>
        %dma_start3A_208 = tpu.memref_squeeze %dma_start3A_207 : memref<1x128xi32, #tpu.memory_space<vmem>> -> memref<128xi32, #tpu.memory_space<vmem>>
        %dma_start3A_209 = arith.constant 0 : i32
        %dma_start3A_210 = arith.constant 0 : i32
        %dma_start3A_211 = tpu.memref_slice %arg10[%dma_start3A_209, %dma_start3A_210] : memref<10240x128xf32, #tpu.memory_space<vmem_shared>> -> memref<10240x128xf32, #tpu.memory_space<vmem_shared>>
        tpu.enqueue_indirect_dma source(%dma_start3A_205 : memref<128x128xf32, #tpu.memory_space<vmem>>) target(%dma_start3A_211 : memref<10240x128xf32, #tpu.memory_space<vmem_shared>>) offsets(%dma_start3A_208 : memref<128xi32, #tpu.memory_space<vmem>>) semaphore(%run_scoped3A_201 : memref<!tpu.dma_semaphore, #tpu.memory_space<semaphore_mem>>) {add = true}
        %dma_wait3A_212 = arith.constant 0 : i32
        %dma_wait3A_213 = arith.constant 0 : i32
        %dma_wait3A_214 = tpu.memref_slice %arg9[%run_scoped3A_149, %dma_wait3A_212, %dma_wait3A_213] : memref<1x128x128xf32, #tpu.memory_space<vmem>> -> memref<1x128x128xf32, #tpu.memory_space<vmem>>
        %dma_wait3A_215 = tpu.memref_squeeze %dma_wait3A_214 : memref<1x128x128xf32, #tpu.memory_space<vmem>> -> memref<128x128xf32, #tpu.memory_space<vmem>>
        %dma_wait3A_216 = arith.constant 0 : i32
        %dma_wait3A_217 = tpu.memref_slice %arg8[%run_scoped3A_150, %dma_wait3A_216] : memref<2x128xi32, #tpu.memory_space<vmem>> -> memref<1x128xi32, #tpu.memory_space<vmem>>
        %dma_wait3A_218 = tpu.memref_squeeze %dma_wait3A_217 : memref<1x128xi32, #tpu.memory_space<vmem>> -> memref<128xi32, #tpu.memory_space<vmem>>
        %dma_wait3A_219 = arith.constant 0 : i32
        %dma_wait3A_220 = arith.constant 0 : i32
        %dma_wait3A_221 = tpu.memref_slice %arg10[%dma_wait3A_219, %dma_wait3A_220] : memref<10240x128xf32, #tpu.memory_space<vmem_shared>> -> memref<10240x128xf32, #tpu.memory_space<vmem_shared>>
        tpu.wait_indirect_dma semaphore(%run_scoped3A_201 : memref<!tpu.dma_semaphore, #tpu.memory_space<semaphore_mem>>) src(%dma_wait3A_215 : memref<128x128xf32, #tpu.memory_space<vmem>>) dst(%dma_wait3A_221 : memref<10240x128xf32, #tpu.memory_space<vmem_shared>>)
        tpu.yield
      }) : () -> ()
      %dma_wait3A_151 = arith.constant 1 : i32
      %dma_wait3A_152 = arith.constant 0 : i32
      %dma_wait3A_153 = tpu.memref_slice %arg7[%dma_wait3A_151, %dma_wait3A_152] : memref<2x128xi32, #tpu.memory_space<vmem>> -> memref<1x128xi32, #tpu.memory_space<vmem>>
      %dma_wait3A_154 = arith.constant 0 : i32
      %dma_wait3A_155 = tpu.memref_slice %arg2[%mul3A_19, %dma_wait3A_154] : memref<2560x128xi32, #tpu.memory_space<hbm>> -> memref<1x128xi32, #tpu.memory_space<hbm>>
      %dma_wait3A_156 = arith.constant 1 : i32
      %dma_wait3A_157 = arith.constant 0 : i32
      %dma_wait3A_158 = tpu.memref_slice %arg7[%dma_wait3A_156, %dma_wait3A_157] : memref<2x128xi32, #tpu.memory_space<vmem>> -> memref<1x128xi32, #tpu.memory_space<vmem>>
      %dma_wait3A_159 = arith.constant 0 : i32
      %dma_wait3A_160 = tpu.memref_slice %arg2[%mul3A_19, %dma_wait3A_159] : memref<2560x128xi32, #tpu.memory_space<hbm>> -> memref<1x128xi32, #tpu.memory_space<hbm>>
      tpu.wait_dma2 semaphore(%arg12 : memref<!tpu.dma_semaphore, #tpu.memory_space<semaphore_mem>>) src(%dma_wait3A_160 : memref<1x128xi32, #tpu.memory_space<hbm>>) dst(%dma_wait3A_158 : memref<1x128xi32, #tpu.memory_space<vmem>>)
      %dma_wait3A_161 = arith.constant 1 : i32
      %dma_wait3A_162 = arith.constant 0 : i32
      %dma_wait3A_163 = tpu.memref_slice %arg8[%dma_wait3A_161, %dma_wait3A_162] : memref<2x128xi32, #tpu.memory_space<vmem>> -> memref<1x128xi32, #tpu.memory_space<vmem>>
      %dma_wait3A_164 = arith.constant 0 : i32
      %dma_wait3A_165 = tpu.memref_slice %arg3[%mul3A_19, %dma_wait3A_164] : memref<2560x128xi32, #tpu.memory_space<hbm>> -> memref<1x128xi32, #tpu.memory_space<hbm>>
      %dma_wait3A_166 = arith.constant 1 : i32
      %dma_wait3A_167 = arith.constant 0 : i32
      %dma_wait3A_168 = tpu.memref_slice %arg8[%dma_wait3A_166, %dma_wait3A_167] : memref<2x128xi32, #tpu.memory_space<vmem>> -> memref<1x128xi32, #tpu.memory_space<vmem>>
      %dma_wait3A_169 = arith.constant 0 : i32
      %dma_wait3A_170 = tpu.memref_slice %arg3[%mul3A_19, %dma_wait3A_169] : memref<2560x128xi32, #tpu.memory_space<hbm>> -> memref<1x128xi32, #tpu.memory_space<hbm>>
      tpu.wait_dma2 semaphore(%arg12 : memref<!tpu.dma_semaphore, #tpu.memory_space<semaphore_mem>>) src(%dma_wait3A_170 : memref<1x128xi32, #tpu.memory_space<hbm>>) dst(%dma_wait3A_168 : memref<1x128xi32, #tpu.memory_space<vmem>>)
      %add3A_171 = arith.constant 1 : i32
      %add3A_172 = arith.addi %scan3A_79, %add3A_171 : i32
      %lt3A = arith.constant 40 : i32
      %lt3A_173 = arith.cmpi slt, %add3A_172, %lt3A : i32
      %convert_element_type3A = arith.extui %lt3A_173 : i1 to i32
      %cond3A = arith.constant 0 : i32
      %cond3A_174 = arith.cmpi ne, %convert_element_type3A, %cond3A : i32
      scf.if %cond3A_174 {
        %add3A_201 = arith.constant 2 : i32
        %add3A_202 = arith.addi %mul3A_81, %add3A_201 : i32
        %add3A_203 = arith.addi %mul3A_19, %add3A_202 : i32
        %dma_start3A_204 = arith.constant 0 : i32
        %dma_start3A_205 = arith.constant 0 : i32
        %dma_start3A_206 = tpu.memref_slice %arg7[%dma_start3A_204, %dma_start3A_205] : memref<2x128xi32, #tpu.memory_space<vmem>> -> memref<1x128xi32, #tpu.memory_space<vmem>>
        %dma_start3A_207 = arith.constant 0 : i32
        %dma_start3A_208 = tpu.memref_slice %arg2[%add3A_203, %dma_start3A_207] : memref<2560x128xi32, #tpu.memory_space<hbm>> -> memref<1x128xi32, #tpu.memory_space<hbm>>
        %dma_start3A_209 = arith.constant 0 : i32
        %dma_start3A_210 = arith.constant 0 : i32
        %dma_start3A_211 = tpu.memref_slice %arg7[%dma_start3A_209, %dma_start3A_210] : memref<2x128xi32, #tpu.memory_space<vmem>> -> memref<1x128xi32, #tpu.memory_space<vmem>>
        %dma_start3A_212 = arith.constant 0 : i32
        %dma_start3A_213 = tpu.memref_slice %arg2[%add3A_203, %dma_start3A_212] : memref<2560x128xi32, #tpu.memory_space<hbm>> -> memref<1x128xi32, #tpu.memory_space<hbm>>
        tpu.enqueue_dma source(%dma_start3A_213 : memref<1x128xi32, #tpu.memory_space<hbm>>) target(%dma_start3A_211 : memref<1x128xi32, #tpu.memory_space<vmem>>) target_semaphore(%arg11 : memref<!tpu.dma_semaphore, #tpu.memory_space<semaphore_mem>>)
        %add3A_214 = arith.addi %mul3A_19, %add3A_202 : i32
        %dma_start3A_215 = arith.constant 0 : i32
        %dma_start3A_216 = arith.constant 0 : i32
        %dma_start3A_217 = tpu.memref_slice %arg8[%dma_start3A_215, %dma_start3A_216] : memref<2x128xi32, #tpu.memory_space<vmem>> -> memref<1x128xi32, #tpu.memory_space<vmem>>
        %dma_start3A_218 = arith.constant 0 : i32
        %dma_start3A_219 = tpu.memref_slice %arg3[%add3A_214, %dma_start3A_218] : memref<2560x128xi32, #tpu.memory_space<hbm>> -> memref<1x128xi32, #tpu.memory_space<hbm>>
        %dma_start3A_220 = arith.constant 0 : i32
        %dma_start3A_221 = arith.constant 0 : i32
        %dma_start3A_222 = tpu.memref_slice %arg8[%dma_start3A_220, %dma_start3A_221] : memref<2x128xi32, #tpu.memory_space<vmem>> -> memref<1x128xi32, #tpu.memory_space<vmem>>
        %dma_start3A_223 = arith.constant 0 : i32
        %dma_start3A_224 = tpu.memref_slice %arg3[%add3A_214, %dma_start3A_223] : memref<2560x128xi32, #tpu.memory_space<hbm>> -> memref<1x128xi32, #tpu.memory_space<hbm>>
        tpu.enqueue_dma source(%dma_start3A_224 : memref<1x128xi32, #tpu.memory_space<hbm>>) target(%dma_start3A_222 : memref<1x128xi32, #tpu.memory_space<vmem>>) target_semaphore(%arg11 : memref<!tpu.dma_semaphore, #tpu.memory_space<semaphore_mem>>)
      } else {
      }
      %dma_start3A_175 = arith.constant 1 : i32
      %dma_start3A_176 = arith.constant 0 : i32
      %dma_start3A_177 = arith.constant 0 : i32
      %dma_start3A_178 = arith.constant 0 : i32
      %dma_start3A_179 = tpu.memref_slice %arg9[%dma_start3A_176, %dma_start3A_177, %dma_start3A_178] : memref<1x128x128xf32, #tpu.memory_space<vmem>> -> memref<1x128x128xf32, #tpu.memory_space<vmem>>
      %dma_start3A_180 = tpu.memref_squeeze %dma_start3A_179 : memref<1x128x128xf32, #tpu.memory_space<vmem>> -> memref<128x128xf32, #tpu.memory_space<vmem>>
      %dma_start3A_181 = arith.constant 0 : i32
      %dma_start3A_182 = tpu.memref_slice %arg7[%dma_start3A_175, %dma_start3A_181] : memref<2x128xi32, #tpu.memory_space<vmem>> -> memref<1x128xi32, #tpu.memory_space<vmem>>
      %dma_start3A_183 = tpu.memref_squeeze %dma_start3A_182 : memref<1x128xi32, #tpu.memory_space<vmem>> -> memref<128xi32, #tpu.memory_space<vmem>>
      %dma_start3A_184 = arith.constant 0 : i32
      %dma_start3A_185 = arith.constant 0 : i32
      %dma_start3A_186 = tpu.memref_slice %arg4[%dma_start3A_184, %dma_start3A_185] : memref<10000x128xf32, #tpu.memory_space<hbm>> -> memref<10000x128xf32, #tpu.memory_space<hbm>>
      tpu.enqueue_indirect_dma source(%dma_start3A_186 : memref<10000x128xf32, #tpu.memory_space<hbm>>) target(%dma_start3A_180 : memref<128x128xf32, #tpu.memory_space<vmem>>) offsets(%dma_start3A_183 : memref<128xi32, #tpu.memory_space<vmem>>) semaphore(%arg13 : memref<!tpu.dma_semaphore, #tpu.memory_space<semaphore_mem>>)
      %dma_wait3A_187 = arith.constant 1 : i32
      %dma_wait3A_188 = arith.constant 0 : i32
      %dma_wait3A_189 = arith.constant 0 : i32
      %dma_wait3A_190 = arith.constant 0 : i32
      %dma_wait3A_191 = tpu.memref_slice %arg9[%dma_wait3A_188, %dma_wait3A_189, %dma_wait3A_190] : memref<1x128x128xf32, #tpu.memory_space<vmem>> -> memref<1x128x128xf32, #tpu.memory_space<vmem>>
      %dma_wait3A_192 = tpu.memref_squeeze %dma_wait3A_191 : memref<1x128x128xf32, #tpu.memory_space<vmem>> -> memref<128x128xf32, #tpu.memory_space<vmem>>
      %dma_wait3A_193 = arith.constant 0 : i32
      %dma_wait3A_194 = tpu.memref_slice %arg7[%dma_wait3A_187, %dma_wait3A_193] : memref<2x128xi32, #tpu.memory_space<vmem>> -> memref<1x128xi32, #tpu.memory_space<vmem>>
      %dma_wait3A_195 = tpu.memref_squeeze %dma_wait3A_194 : memref<1x128xi32, #tpu.memory_space<vmem>> -> memref<128xi32, #tpu.memory_space<vmem>>
      %dma_wait3A_196 = arith.constant 0 : i32
      %dma_wait3A_197 = arith.constant 0 : i32
      %dma_wait3A_198 = tpu.memref_slice %arg4[%dma_wait3A_196, %dma_wait3A_197] : memref<10000x128xf32, #tpu.memory_space<hbm>> -> memref<10000x128xf32, #tpu.memory_space<hbm>>
      tpu.wait_indirect_dma semaphore(%arg13 : memref<!tpu.dma_semaphore, #tpu.memory_space<semaphore_mem>>) src(%dma_wait3A_198 : memref<10000x128xf32, #tpu.memory_space<hbm>>) dst(%dma_wait3A_192 : memref<128x128xf32, #tpu.memory_space<vmem>>)
      %run_scoped3A_199 = arith.constant 0 : i32
      %run_scoped3A_200 = arith.constant 1 : i32
      "tpu.region"() ({
        %run_scoped3A_201 = tpu.sem_alloc : memref<!tpu.dma_semaphore, #tpu.memory_space<semaphore_mem>>
        %dma_start3A_202 = arith.constant 0 : i32
        %dma_start3A_203 = arith.constant 0 : i32
        %dma_start3A_204 = tpu.memref_slice %arg9[%run_scoped3A_199, %dma_start3A_202, %dma_start3A_203] : memref<1x128x128xf32, #tpu.memory_space<vmem>> -> memref<1x128x128xf32, #tpu.memory_space<vmem>>
        %dma_start3A_205 = tpu.memref_squeeze %dma_start3A_204 : memref<1x128x128xf32, #tpu.memory_space<vmem>> -> memref<128x128xf32, #tpu.memory_space<vmem>>
        %dma_start3A_206 = arith.constant 0 : i32
        %dma_start3A_207 = tpu.memref_slice %arg8[%run_scoped3A_200, %dma_start3A_206] : memref<2x128xi32, #tpu.memory_space<vmem>> -> memref<1x128xi32, #tpu.memory_space<vmem>>
        %dma_start3A_208 = tpu.memref_squeeze %dma_start3A_207 : memref<1x128xi32, #tpu.memory_space<vmem>> -> memref<128xi32, #tpu.memory_space<vmem>>
        %dma_start3A_209 = arith.constant 0 : i32
        %dma_start3A_210 = arith.constant 0 : i32
        %dma_start3A_211 = tpu.memref_slice %arg10[%dma_start3A_209, %dma_start3A_210] : memref<10240x128xf32, #tpu.memory_space<vmem_shared>> -> memref<10240x128xf32, #tpu.memory_space<vmem_shared>>
        tpu.enqueue_indirect_dma source(%dma_start3A_205 : memref<128x128xf32, #tpu.memory_space<vmem>>) target(%dma_start3A_211 : memref<10240x128xf32, #tpu.memory_space<vmem_shared>>) offsets(%dma_start3A_208 : memref<128xi32, #tpu.memory_space<vmem>>) semaphore(%run_scoped3A_201 : memref<!tpu.dma_semaphore, #tpu.memory_space<semaphore_mem>>) {add = true}
        %dma_wait3A_212 = arith.constant 0 : i32
        %dma_wait3A_213 = arith.constant 0 : i32
        %dma_wait3A_214 = tpu.memref_slice %arg9[%run_scoped3A_199, %dma_wait3A_212, %dma_wait3A_213] : memref<1x128x128xf32, #tpu.memory_space<vmem>> -> memref<1x128x128xf32, #tpu.memory_space<vmem>>
        %dma_wait3A_215 = tpu.memref_squeeze %dma_wait3A_214 : memref<1x128x128xf32, #tpu.memory_space<vmem>> -> memref<128x128xf32, #tpu.memory_space<vmem>>
        %dma_wait3A_216 = arith.constant 0 : i32
        %dma_wait3A_217 = tpu.memref_slice %arg8[%run_scoped3A_200, %dma_wait3A_216] : memref<2x128xi32, #tpu.memory_space<vmem>> -> memref<1x128xi32, #tpu.memory_space<vmem>>
        %dma_wait3A_218 = tpu.memref_squeeze %dma_wait3A_217 : memref<1x128xi32, #tpu.memory_space<vmem>> -> memref<128xi32, #tpu.memory_space<vmem>>
        %dma_wait3A_219 = arith.constant 0 : i32
        %dma_wait3A_220 = arith.constant 0 : i32
        %dma_wait3A_221 = tpu.memref_slice %arg10[%dma_wait3A_219, %dma_wait3A_220] : memref<10240x128xf32, #tpu.memory_space<vmem_shared>> -> memref<10240x128xf32, #tpu.memory_space<vmem_shared>>
        tpu.wait_indirect_dma semaphore(%run_scoped3A_201 : memref<!tpu.dma_semaphore, #tpu.memory_space<semaphore_mem>>) src(%dma_wait3A_215 : memref<128x128xf32, #tpu.memory_space<vmem>>) dst(%dma_wait3A_221 : memref<10240x128xf32, #tpu.memory_space<vmem_shared>>)
        tpu.yield
      }) : () -> ()
    }
    %scan3A_47 = arith.constant 40 : i32
    %barrier3A_48 = arith.constant 0 : index
    tpu.barrier barrier_id(%barrier3A_48)
    %add3A_49 = arith.constant 0 : i32
    %add3A_50 = arith.addi %mul3A_2, %add3A_49 : i32
    %run_scoped3A_51 = arith.constant 0 : i32
    "tpu.region"() ({
      %run_scoped3A_79 = tpu.sem_alloc : memref<!tpu.dma_semaphore, #tpu.memory_space<semaphore_mem>>
      %dma_start3A_80 = arith.constant 0 : i32
      %dma_start3A_81 = arith.constant 0 : i32
      %dma_start3A_82 = tpu.memref_slice %arg9[%run_scoped3A_51, %dma_start3A_80, %dma_start3A_81] : memref<1x128x128xf32, #tpu.memory_space<vmem>> -> memref<1x128x128xf32, #tpu.memory_space<vmem>>
      %dma_start3A_83 = tpu.memref_squeeze %dma_start3A_82 : memref<1x128x128xf32, #tpu.memory_space<vmem>> -> memref<128x128xf32, #tpu.memory_space<vmem>>
      %dma_start3A_84 = arith.constant 0 : i32
      %dma_start3A_85 = tpu.memref_slice %arg10[%add3A_50, %dma_start3A_84] : memref<10240x128xf32, #tpu.memory_space<vmem_shared>> -> memref<128x128xf32, #tpu.memory_space<vmem_shared>>
      %dma_start3A_86 = arith.constant 0 : i32
      %dma_start3A_87 = arith.constant 0 : i32
      %dma_start3A_88 = tpu.memref_slice %arg9[%run_scoped3A_51, %dma_start3A_86, %dma_start3A_87] : memref<1x128x128xf32, #tpu.memory_space<vmem>> -> memref<1x128x128xf32, #tpu.memory_space<vmem>>
      %dma_start3A_89 = tpu.memref_squeeze %dma_start3A_88 : memref<1x128x128xf32, #tpu.memory_space<vmem>> -> memref<128x128xf32, #tpu.memory_space<vmem>>
      %dma_start3A_90 = arith.constant 0 : i32
      %dma_start3A_91 = tpu.memref_slice %arg10[%add3A_50, %dma_start3A_90] : memref<10240x128xf32, #tpu.memory_space<vmem_shared>> -> memref<128x128xf32, #tpu.memory_space<vmem_shared>>
      tpu.enqueue_dma source(%dma_start3A_91 : memref<128x128xf32, #tpu.memory_space<vmem_shared>>) target(%dma_start3A_89 : memref<128x128xf32, #tpu.memory_space<vmem>>) target_semaphore(%run_scoped3A_79 : memref<!tpu.dma_semaphore, #tpu.memory_space<semaphore_mem>>)
      %dma_wait3A = arith.constant 0 : i32
      %dma_wait3A_92 = arith.constant 0 : i32
      %dma_wait3A_93 = tpu.memref_slice %arg9[%run_scoped3A_51, %dma_wait3A, %dma_wait3A_92] : memref<1x128x128xf32, #tpu.memory_space<vmem>> -> memref<1x128x128xf32, #tpu.memory_space<vmem>>
      %dma_wait3A_94 = tpu.memref_squeeze %dma_wait3A_93 : memref<1x128x128xf32, #tpu.memory_space<vmem>> -> memref<128x128xf32, #tpu.memory_space<vmem>>
      %dma_wait3A_95 = arith.constant 0 : i32
      %dma_wait3A_96 = tpu.memref_slice %arg10[%add3A_50, %dma_wait3A_95] : memref<10240x128xf32, #tpu.memory_space<vmem_shared>> -> memref<128x128xf32, #tpu.memory_space<vmem_shared>>
      %dma_wait3A_97 = arith.constant 0 : i32
      %dma_wait3A_98 = arith.constant 0 : i32
      %dma_wait3A_99 = tpu.memref_slice %arg9[%run_scoped3A_51, %dma_wait3A_97, %dma_wait3A_98] : memref<1x128x128xf32, #tpu.memory_space<vmem>> -> memref<1x128x128xf32, #tpu.memory_space<vmem>>
      %dma_wait3A_100 = tpu.memref_squeeze %dma_wait3A_99 : memref<1x128x128xf32, #tpu.memory_space<vmem>> -> memref<128x128xf32, #tpu.memory_space<vmem>>
      %dma_wait3A_101 = arith.constant 0 : i32
      %dma_wait3A_102 = tpu.memref_slice %arg10[%add3A_50, %dma_wait3A_101] : memref<10240x128xf32, #tpu.memory_space<vmem_shared>> -> memref<128x128xf32, #tpu.memory_space<vmem_shared>>
      tpu.wait_dma2 semaphore(%run_scoped3A_79 : memref<!tpu.dma_semaphore, #tpu.memory_space<semaphore_mem>>) src(%dma_wait3A_102 : memref<128x128xf32, #tpu.memory_space<vmem_shared>>) dst(%dma_wait3A_100 : memref<128x128xf32, #tpu.memory_space<vmem>>)
      tpu.yield
    }) : () -> ()
    %add3A_52 = arith.constant 0 : i32
    %add3A_53 = arith.addi %mul3A_2, %add3A_52 : i32
    %run_scoped3A_54 = arith.constant 0 : i32
    "tpu.region"() ({
      %run_scoped3A_79 = tpu.sem_alloc : memref<!tpu.dma_semaphore, #tpu.memory_space<semaphore_mem>>
      %dma_start3A_80 = arith.constant 0 : i32
      %dma_start3A_81 = arith.constant 0 : i32
      %dma_start3A_82 = tpu.memref_slice %arg9[%run_scoped3A_54, %dma_start3A_80, %dma_start3A_81] : memref<1x128x128xf32, #tpu.memory_space<vmem>> -> memref<1x128x128xf32, #tpu.memory_space<vmem>>
      %dma_start3A_83 = tpu.memref_squeeze %dma_start3A_82 : memref<1x128x128xf32, #tpu.memory_space<vmem>> -> memref<128x128xf32, #tpu.memory_space<vmem>>
      %dma_start3A_84 = arith.constant 0 : i32
      %dma_start3A_85 = tpu.memref_slice %arg6[%arg0, %add3A_53, %dma_start3A_84] : memref<2x10240x128xf32, #tpu.memory_space<hbm>> -> memref<1x128x128xf32, #tpu.memory_space<hbm>>
      %dma_start3A_86 = tpu.memref_squeeze %dma_start3A_85 : memref<1x128x128xf32, #tpu.memory_space<hbm>> -> memref<128x128xf32, #tpu.memory_space<hbm>>
      %dma_start3A_87 = arith.constant 0 : i32
      %dma_start3A_88 = tpu.memref_slice %arg6[%arg0, %add3A_53, %dma_start3A_87] : memref<2x10240x128xf32, #tpu.memory_space<hbm>> -> memref<1x128x128xf32, #tpu.memory_space<hbm>>
      %dma_start3A_89 = tpu.memref_squeeze %dma_start3A_88 : memref<1x128x128xf32, #tpu.memory_space<hbm>> -> memref<128x128xf32, #tpu.memory_space<hbm>>
      %dma_start3A_90 = arith.constant 0 : i32
      %dma_start3A_91 = arith.constant 0 : i32
      %dma_start3A_92 = tpu.memref_slice %arg9[%run_scoped3A_54, %dma_start3A_90, %dma_start3A_91] : memref<1x128x128xf32, #tpu.memory_space<vmem>> -> memref<1x128x128xf32, #tpu.memory_space<vmem>>
      %dma_start3A_93 = tpu.memref_squeeze %dma_start3A_92 : memref<1x128x128xf32, #tpu.memory_space<vmem>> -> memref<128x128xf32, #tpu.memory_space<vmem>>
      tpu.enqueue_dma source(%dma_start3A_93 : memref<128x128xf32, #tpu.memory_space<vmem>>) target(%dma_start3A_89 : memref<128x128xf32, #tpu.memory_space<hbm>>) target_semaphore(%run_scoped3A_79 : memref<!tpu.dma_semaphore, #tpu.memory_space<semaphore_mem>>)
      %dma_wait3A = arith.constant 0 : i32
      %dma_wait3A_94 = arith.constant 0 : i32
      %dma_wait3A_95 = tpu.memref_slice %arg9[%run_scoped3A_54, %dma_wait3A, %dma_wait3A_94] : memref<1x128x128xf32, #tpu.memory_space<vmem>> -> memref<1x128x128xf32, #tpu.memory_space<vmem>>
      %dma_wait3A_96 = tpu.memref_squeeze %dma_wait3A_95 : memref<1x128x128xf32, #tpu.memory_space<vmem>> -> memref<128x128xf32, #tpu.memory_space<vmem>>
      %dma_wait3A_97 = arith.constant 0 : i32
      %dma_wait3A_98 = tpu.memref_slice %arg6[%arg0, %add3A_53, %dma_wait3A_97] : memref<2x10240x128xf32, #tpu.memory_space<hbm>> -> memref<1x128x128xf32, #tpu.memory_space<hbm>>
      %dma_wait3A_99 = tpu.memref_squeeze %dma_wait3A_98 : memref<1x128x128xf32, #tpu.memory_space<hbm>> -> memref<128x128xf32, #tpu.memory_space<hbm>>
      %dma_wait3A_100 = arith.constant 0 : i32
      %dma_wait3A_101 = tpu.memref_slice %arg6[%arg0, %add3A_53, %dma_wait3A_100] : memref<2x10240x128xf32, #tpu.memory_space<hbm>> -> memref<1x128x128xf32, #tpu.memory_space<hbm>>
      %dma_wait3A_102 = tpu.memref_squeeze %dma_wait3A_101 : memref<1x128x128xf32, #tpu.memory_space<hbm>> -> memref<128x128xf32, #tpu.memory_space<hbm>>
      %dma_wait3A_103 = arith.constant 0 : i32
      %dma_wait3A_104 = arith.constant 0 : i32
      %dma_wait3A_105 = tpu.memref_slice %arg9[%run_scoped3A_54, %dma_wait3A_103, %dma_wait3A_104] : memref<1x128x128xf32, #tpu.memory_space<vmem>> -> memref<1x128x128xf32, #tpu.memory_space<vmem>>
      %dma_wait3A_106 = tpu.memref_squeeze %dma_wait3A_105 : memref<1x128x128xf32, #tpu.memory_space<vmem>> -> memref<128x128xf32, #tpu.memory_space<vmem>>
      tpu.wait_dma2 semaphore(%run_scoped3A_79 : memref<!tpu.dma_semaphore, #tpu.memory_space<semaphore_mem>>) src(%dma_wait3A_106 : memref<128x128xf32, #tpu.memory_space<vmem>>) dst(%dma_wait3A_102 : memref<128x128xf32, #tpu.memory_space<hbm>>)
      tpu.yield
    }) : () -> ()
    %add3A_55 = arith.constant 128 : i32
    %add3A_56 = arith.addi %mul3A_2, %add3A_55 : i32
    %run_scoped3A_57 = arith.constant 0 : i32
    "tpu.region"() ({
      %run_scoped3A_79 = tpu.sem_alloc : memref<!tpu.dma_semaphore, #tpu.memory_space<semaphore_mem>>
      %dma_start3A_80 = arith.constant 0 : i32
      %dma_start3A_81 = arith.constant 0 : i32
      %dma_start3A_82 = tpu.memref_slice %arg9[%run_scoped3A_57, %dma_start3A_80, %dma_start3A_81] : memref<1x128x128xf32, #tpu.memory_space<vmem>> -> memref<1x128x128xf32, #tpu.memory_space<vmem>>
      %dma_start3A_83 = tpu.memref_squeeze %dma_start3A_82 : memref<1x128x128xf32, #tpu.memory_space<vmem>> -> memref<128x128xf32, #tpu.memory_space<vmem>>
      %dma_start3A_84 = arith.constant 0 : i32
      %dma_start3A_85 = tpu.memref_slice %arg10[%add3A_56, %dma_start3A_84] : memref<10240x128xf32, #tpu.memory_space<vmem_shared>> -> memref<128x128xf32, #tpu.memory_space<vmem_shared>>
      %dma_start3A_86 = arith.constant 0 : i32
      %dma_start3A_87 = arith.constant 0 : i32
      %dma_start3A_88 = tpu.memref_slice %arg9[%run_scoped3A_57, %dma_start3A_86, %dma_start3A_87] : memref<1x128x128xf32, #tpu.memory_space<vmem>> -> memref<1x128x128xf32, #tpu.memory_space<vmem>>
      %dma_start3A_89 = tpu.memref_squeeze %dma_start3A_88 : memref<1x128x128xf32, #tpu.memory_space<vmem>> -> memref<128x128xf32, #tpu.memory_space<vmem>>
      %dma_start3A_90 = arith.constant 0 : i32
      %dma_start3A_91 = tpu.memref_slice %arg10[%add3A_56, %dma_start3A_90] : memref<10240x128xf32, #tpu.memory_space<vmem_shared>> -> memref<128x128xf32, #tpu.memory_space<vmem_shared>>
      tpu.enqueue_dma source(%dma_start3A_91 : memref<128x128xf32, #tpu.memory_space<vmem_shared>>) target(%dma_start3A_89 : memref<128x128xf32, #tpu.memory_space<vmem>>) target_semaphore(%run_scoped3A_79 : memref<!tpu.dma_semaphore, #tpu.memory_space<semaphore_mem>>)
      %dma_wait3A = arith.constant 0 : i32
      %dma_wait3A_92 = arith.constant 0 : i32
      %dma_wait3A_93 = tpu.memref_slice %arg9[%run_scoped3A_57, %dma_wait3A, %dma_wait3A_92] : memref<1x128x128xf32, #tpu.memory_space<vmem>> -> memref<1x128x128xf32, #tpu.memory_space<vmem>>
      %dma_wait3A_94 = tpu.memref_squeeze %dma_wait3A_93 : memref<1x128x128xf32, #tpu.memory_space<vmem>> -> memref<128x128xf32, #tpu.memory_space<vmem>>
      %dma_wait3A_95 = arith.constant 0 : i32
      %dma_wait3A_96 = tpu.memref_slice %arg10[%add3A_56, %dma_wait3A_95] : memref<10240x128xf32, #tpu.memory_space<vmem_shared>> -> memref<128x128xf32, #tpu.memory_space<vmem_shared>>
      %dma_wait3A_97 = arith.constant 0 : i32
      %dma_wait3A_98 = arith.constant 0 : i32
      %dma_wait3A_99 = tpu.memref_slice %arg9[%run_scoped3A_57, %dma_wait3A_97, %dma_wait3A_98] : memref<1x128x128xf32, #tpu.memory_space<vmem>> -> memref<1x128x128xf32, #tpu.memory_space<vmem>>
      %dma_wait3A_100 = tpu.memref_squeeze %dma_wait3A_99 : memref<1x128x128xf32, #tpu.memory_space<vmem>> -> memref<128x128xf32, #tpu.memory_space<vmem>>
      %dma_wait3A_101 = arith.constant 0 : i32
      %dma_wait3A_102 = tpu.memref_slice %arg10[%add3A_56, %dma_wait3A_101] : memref<10240x128xf32, #tpu.memory_space<vmem_shared>> -> memref<128x128xf32, #tpu.memory_space<vmem_shared>>
      tpu.wait_dma2 semaphore(%run_scoped3A_79 : memref<!tpu.dma_semaphore, #tpu.memory_space<semaphore_mem>>) src(%dma_wait3A_102 : memref<128x128xf32, #tpu.memory_space<vmem_shared>>) dst(%dma_wait3A_100 : memref<128x128xf32, #tpu.memory_space<vmem>>)
      tpu.yield
    }) : () -> ()
    %add3A_58 = arith.constant 128 : i32
    %add3A_59 = arith.addi %mul3A_2, %add3A_58 : i32
    %run_scoped3A_60 = arith.constant 0 : i32
    "tpu.region"() ({
      %run_scoped3A_79 = tpu.sem_alloc : memref<!tpu.dma_semaphore, #tpu.memory_space<semaphore_mem>>
      %dma_start3A_80 = arith.constant 0 : i32
      %dma_start3A_81 = arith.constant 0 : i32
      %dma_start3A_82 = tpu.memref_slice %arg9[%run_scoped3A_60, %dma_start3A_80, %dma_start3A_81] : memref<1x128x128xf32, #tpu.memory_space<vmem>> -> memref<1x128x128xf32, #tpu.memory_space<vmem>>
      %dma_start3A_83 = tpu.memref_squeeze %dma_start3A_82 : memref<1x128x128xf32, #tpu.memory_space<vmem>> -> memref<128x128xf32, #tpu.memory_space<vmem>>
      %dma_start3A_84 = arith.constant 0 : i32
      %dma_start3A_85 = tpu.memref_slice %arg6[%arg0, %add3A_59, %dma_start3A_84] : memref<2x10240x128xf32, #tpu.memory_space<hbm>> -> memref<1x128x128xf32, #tpu.memory_space<hbm>>
      %dma_start3A_86 = tpu.memref_squeeze %dma_start3A_85 : memref<1x128x128xf32, #tpu.memory_space<hbm>> -> memref<128x128xf32, #tpu.memory_space<hbm>>
      %dma_start3A_87 = arith.constant 0 : i32
      %dma_start3A_88 = tpu.memref_slice %arg6[%arg0, %add3A_59, %dma_start3A_87] : memref<2x10240x128xf32, #tpu.memory_space<hbm>> -> memref<1x128x128xf32, #tpu.memory_space<hbm>>
      %dma_start3A_89 = tpu.memref_squeeze %dma_start3A_88 : memref<1x128x128xf32, #tpu.memory_space<hbm>> -> memref<128x128xf32, #tpu.memory_space<hbm>>
      %dma_start3A_90 = arith.constant 0 : i32
      %dma_start3A_91 = arith.constant 0 : i32
      %dma_start3A_92 = tpu.memref_slice %arg9[%run_scoped3A_60, %dma_start3A_90, %dma_start3A_91] : memref<1x128x128xf32, #tpu.memory_space<vmem>> -> memref<1x128x128xf32, #tpu.memory_space<vmem>>
      %dma_start3A_93 = tpu.memref_squeeze %dma_start3A_92 : memref<1x128x128xf32, #tpu.memory_space<vmem>> -> memref<128x128xf32, #tpu.memory_space<vmem>>
      tpu.enqueue_dma source(%dma_start3A_93 : memref<128x128xf32, #tpu.memory_space<vmem>>) target(%dma_start3A_89 : memref<128x128xf32, #tpu.memory_space<hbm>>) target_semaphore(%run_scoped3A_79 : memref<!tpu.dma_semaphore, #tpu.memory_space<semaphore_mem>>)
      %dma_wait3A = arith.constant 0 : i32
      %dma_wait3A_94 = arith.constant 0 : i32
      %dma_wait3A_95 = tpu.memref_slice %arg9[%run_scoped3A_60, %dma_wait3A, %dma_wait3A_94] : memref<1x128x128xf32, #tpu.memory_space<vmem>> -> memref<1x128x128xf32, #tpu.memory_space<vmem>>
      %dma_wait3A_96 = tpu.memref_squeeze %dma_wait3A_95 : memref<1x128x128xf32, #tpu.memory_space<vmem>> -> memref<128x128xf32, #tpu.memory_space<vmem>>
      %dma_wait3A_97 = arith.constant 0 : i32
      %dma_wait3A_98 = tpu.memref_slice %arg6[%arg0, %add3A_59, %dma_wait3A_97] : memref<2x10240x128xf32, #tpu.memory_space<hbm>> -> memref<1x128x128xf32, #tpu.memory_space<hbm>>
      %dma_wait3A_99 = tpu.memref_squeeze %dma_wait3A_98 : memref<1x128x128xf32, #tpu.memory_space<hbm>> -> memref<128x128xf32, #tpu.memory_space<hbm>>
      %dma_wait3A_100 = arith.constant 0 : i32
      %dma_wait3A_101 = tpu.memref_slice %arg6[%arg0, %add3A_59, %dma_wait3A_100] : memref<2x10240x128xf32, #tpu.memory_space<hbm>> -> memref<1x128x128xf32, #tpu.memory_space<hbm>>
      %dma_wait3A_102 = tpu.memref_squeeze %dma_wait3A_101 : memref<1x128x128xf32, #tpu.memory_space<hbm>> -> memref<128x128xf32, #tpu.memory_space<hbm>>
      %dma_wait3A_103 = arith.constant 0 : i32
      %dma_wait3A_104 = arith.constant 0 : i32
      %dma_wait3A_105 = tpu.memref_slice %arg9[%run_scoped3A_60, %dma_wait3A_103, %dma_wait3A_104] : memref<1x128x128xf32, #tpu.memory_space<vmem>> -> memref<1x128x128xf32, #tpu.memory_space<vmem>>
      %dma_wait3A_106 = tpu.memref_squeeze %dma_wait3A_105 : memref<1x128x128xf32, #tpu.memory_space<vmem>> -> memref<128x128xf32, #tpu.memory_space<vmem>>
      tpu.wait_dma2 semaphore(%run_scoped3A_79 : memref<!tpu.dma_semaphore, #tpu.memory_space<semaphore_mem>>) src(%dma_wait3A_106 : memref<128x128xf32, #tpu.memory_space<vmem>>) dst(%dma_wait3A_102 : memref<128x128xf32, #tpu.memory_space<hbm>>)
      tpu.yield
    }) : () -> ()
    %add3A_61 = arith.constant 256 : i32
    %add3A_62 = arith.addi %mul3A_2, %add3A_61 : i32
    %run_scoped3A_63 = arith.constant 0 : i32
    "tpu.region"() ({
      %run_scoped3A_79 = tpu.sem_alloc : memref<!tpu.dma_semaphore, #tpu.memory_space<semaphore_mem>>
      %dma_start3A_80 = arith.constant 0 : i32
      %dma_start3A_81 = arith.constant 0 : i32
      %dma_start3A_82 = tpu.memref_slice %arg9[%run_scoped3A_63, %dma_start3A_80, %dma_start3A_81] : memref<1x128x128xf32, #tpu.memory_space<vmem>> -> memref<1x128x128xf32, #tpu.memory_space<vmem>>
      %dma_start3A_83 = tpu.memref_squeeze %dma_start3A_82 : memref<1x128x128xf32, #tpu.memory_space<vmem>> -> memref<128x128xf32, #tpu.memory_space<vmem>>
      %dma_start3A_84 = arith.constant 0 : i32
      %dma_start3A_85 = tpu.memref_slice %arg10[%add3A_62, %dma_start3A_84] : memref<10240x128xf32, #tpu.memory_space<vmem_shared>> -> memref<128x128xf32, #tpu.memory_space<vmem_shared>>
      %dma_start3A_86 = arith.constant 0 : i32
      %dma_start3A_87 = arith.constant 0 : i32
      %dma_start3A_88 = tpu.memref_slice %arg9[%run_scoped3A_63, %dma_start3A_86, %dma_start3A_87] : memref<1x128x128xf32, #tpu.memory_space<vmem>> -> memref<1x128x128xf32, #tpu.memory_space<vmem>>
      %dma_start3A_89 = tpu.memref_squeeze %dma_start3A_88 : memref<1x128x128xf32, #tpu.memory_space<vmem>> -> memref<128x128xf32, #tpu.memory_space<vmem>>
      %dma_start3A_90 = arith.constant 0 : i32
      %dma_start3A_91 = tpu.memref_slice %arg10[%add3A_62, %dma_start3A_90] : memref<10240x128xf32, #tpu.memory_space<vmem_shared>> -> memref<128x128xf32, #tpu.memory_space<vmem_shared>>
      tpu.enqueue_dma source(%dma_start3A_91 : memref<128x128xf32, #tpu.memory_space<vmem_shared>>) target(%dma_start3A_89 : memref<128x128xf32, #tpu.memory_space<vmem>>) target_semaphore(%run_scoped3A_79 : memref<!tpu.dma_semaphore, #tpu.memory_space<semaphore_mem>>)
      %dma_wait3A = arith.constant 0 : i32
      %dma_wait3A_92 = arith.constant 0 : i32
      %dma_wait3A_93 = tpu.memref_slice %arg9[%run_scoped3A_63, %dma_wait3A, %dma_wait3A_92] : memref<1x128x128xf32, #tpu.memory_space<vmem>> -> memref<1x128x128xf32, #tpu.memory_space<vmem>>
      %dma_wait3A_94 = tpu.memref_squeeze %dma_wait3A_93 : memref<1x128x128xf32, #tpu.memory_space<vmem>> -> memref<128x128xf32, #tpu.memory_space<vmem>>
      %dma_wait3A_95 = arith.constant 0 : i32
      %dma_wait3A_96 = tpu.memref_slice %arg10[%add3A_62, %dma_wait3A_95] : memref<10240x128xf32, #tpu.memory_space<vmem_shared>> -> memref<128x128xf32, #tpu.memory_space<vmem_shared>>
      %dma_wait3A_97 = arith.constant 0 : i32
      %dma_wait3A_98 = arith.constant 0 : i32
      %dma_wait3A_99 = tpu.memref_slice %arg9[%run_scoped3A_63, %dma_wait3A_97, %dma_wait3A_98] : memref<1x128x128xf32, #tpu.memory_space<vmem>> -> memref<1x128x128xf32, #tpu.memory_space<vmem>>
      %dma_wait3A_100 = tpu.memref_squeeze %dma_wait3A_99 : memref<1x128x128xf32, #tpu.memory_space<vmem>> -> memref<128x128xf32, #tpu.memory_space<vmem>>
      %dma_wait3A_101 = arith.constant 0 : i32
      %dma_wait3A_102 = tpu.memref_slice %arg10[%add3A_62, %dma_wait3A_101] : memref<10240x128xf32, #tpu.memory_space<vmem_shared>> -> memref<128x128xf32, #tpu.memory_space<vmem_shared>>
      tpu.wait_dma2 semaphore(%run_scoped3A_79 : memref<!tpu.dma_semaphore, #tpu.memory_space<semaphore_mem>>) src(%dma_wait3A_102 : memref<128x128xf32, #tpu.memory_space<vmem_shared>>) dst(%dma_wait3A_100 : memref<128x128xf32, #tpu.memory_space<vmem>>)
      tpu.yield
    }) : () -> ()
    %add3A_64 = arith.constant 256 : i32
    %add3A_65 = arith.addi %mul3A_2, %add3A_64 : i32
    %run_scoped3A_66 = arith.constant 0 : i32
    "tpu.region"() ({
      %run_scoped3A_79 = tpu.sem_alloc : memref<!tpu.dma_semaphore, #tpu.memory_space<semaphore_mem>>
      %dma_start3A_80 = arith.constant 0 : i32
      %dma_start3A_81 = arith.constant 0 : i32
      %dma_start3A_82 = tpu.memref_slice %arg9[%run_scoped3A_66, %dma_start3A_80, %dma_start3A_81] : memref<1x128x128xf32, #tpu.memory_space<vmem>> -> memref<1x128x128xf32, #tpu.memory_space<vmem>>
      %dma_start3A_83 = tpu.memref_squeeze %dma_start3A_82 : memref<1x128x128xf32, #tpu.memory_space<vmem>> -> memref<128x128xf32, #tpu.memory_space<vmem>>
      %dma_start3A_84 = arith.constant 0 : i32
      %dma_start3A_85 = tpu.memref_slice %arg6[%arg0, %add3A_65, %dma_start3A_84] : memref<2x10240x128xf32, #tpu.memory_space<hbm>> -> memref<1x128x128xf32, #tpu.memory_space<hbm>>
      %dma_start3A_86 = tpu.memref_squeeze %dma_start3A_85 : memref<1x128x128xf32, #tpu.memory_space<hbm>> -> memref<128x128xf32, #tpu.memory_space<hbm>>
      %dma_start3A_87 = arith.constant 0 : i32
      %dma_start3A_88 = tpu.memref_slice %arg6[%arg0, %add3A_65, %dma_start3A_87] : memref<2x10240x128xf32, #tpu.memory_space<hbm>> -> memref<1x128x128xf32, #tpu.memory_space<hbm>>
      %dma_start3A_89 = tpu.memref_squeeze %dma_start3A_88 : memref<1x128x128xf32, #tpu.memory_space<hbm>> -> memref<128x128xf32, #tpu.memory_space<hbm>>
      %dma_start3A_90 = arith.constant 0 : i32
      %dma_start3A_91 = arith.constant 0 : i32
      %dma_start3A_92 = tpu.memref_slice %arg9[%run_scoped3A_66, %dma_start3A_90, %dma_start3A_91] : memref<1x128x128xf32, #tpu.memory_space<vmem>> -> memref<1x128x128xf32, #tpu.memory_space<vmem>>
      %dma_start3A_93 = tpu.memref_squeeze %dma_start3A_92 : memref<1x128x128xf32, #tpu.memory_space<vmem>> -> memref<128x128xf32, #tpu.memory_space<vmem>>
      tpu.enqueue_dma source(%dma_start3A_93 : memref<128x128xf32, #tpu.memory_space<vmem>>) target(%dma_start3A_89 : memref<128x128xf32, #tpu.memory_space<hbm>>) target_semaphore(%run_scoped3A_79 : memref<!tpu.dma_semaphore, #tpu.memory_space<semaphore_mem>>)
      %dma_wait3A = arith.constant 0 : i32
      %dma_wait3A_94 = arith.constant 0 : i32
      %dma_wait3A_95 = tpu.memref_slice %arg9[%run_scoped3A_66, %dma_wait3A, %dma_wait3A_94] : memref<1x128x128xf32, #tpu.memory_space<vmem>> -> memref<1x128x128xf32, #tpu.memory_space<vmem>>
      %dma_wait3A_96 = tpu.memref_squeeze %dma_wait3A_95 : memref<1x128x128xf32, #tpu.memory_space<vmem>> -> memref<128x128xf32, #tpu.memory_space<vmem>>
      %dma_wait3A_97 = arith.constant 0 : i32
      %dma_wait3A_98 = tpu.memref_slice %arg6[%arg0, %add3A_65, %dma_wait3A_97] : memref<2x10240x128xf32, #tpu.memory_space<hbm>> -> memref<1x128x128xf32, #tpu.memory_space<hbm>>
      %dma_wait3A_99 = tpu.memref_squeeze %dma_wait3A_98 : memref<1x128x128xf32, #tpu.memory_space<hbm>> -> memref<128x128xf32, #tpu.memory_space<hbm>>
      %dma_wait3A_100 = arith.constant 0 : i32
      %dma_wait3A_101 = tpu.memref_slice %arg6[%arg0, %add3A_65, %dma_wait3A_100] : memref<2x10240x128xf32, #tpu.memory_space<hbm>> -> memref<1x128x128xf32, #tpu.memory_space<hbm>>
      %dma_wait3A_102 = tpu.memref_squeeze %dma_wait3A_101 : memref<1x128x128xf32, #tpu.memory_space<hbm>> -> memref<128x128xf32, #tpu.memory_space<hbm>>
      %dma_wait3A_103 = arith.constant 0 : i32
      %dma_wait3A_104 = arith.constant 0 : i32
      %dma_wait3A_105 = tpu.memref_slice %arg9[%run_scoped3A_66, %dma_wait3A_103, %dma_wait3A_104] : memref<1x128x128xf32, #tpu.memory_space<vmem>> -> memref<1x128x128xf32, #tpu.memory_space<vmem>>
      %dma_wait3A_106 = tpu.memref_squeeze %dma_wait3A_105 : memref<1x128x128xf32, #tpu.memory_space<vmem>> -> memref<128x128xf32, #tpu.memory_space<vmem>>
      tpu.wait_dma2 semaphore(%run_scoped3A_79 : memref<!tpu.dma_semaphore, #tpu.memory_space<semaphore_mem>>) src(%dma_wait3A_106 : memref<128x128xf32, #tpu.memory_space<vmem>>) dst(%dma_wait3A_102 : memref<128x128xf32, #tpu.memory_space<hbm>>)
      tpu.yield
    }) : () -> ()
    %add3A_67 = arith.constant 384 : i32
    %add3A_68 = arith.addi %mul3A_2, %add3A_67 : i32
    %run_scoped3A_69 = arith.constant 0 : i32
    "tpu.region"() ({
      %run_scoped3A_79 = tpu.sem_alloc : memref<!tpu.dma_semaphore, #tpu.memory_space<semaphore_mem>>
      %dma_start3A_80 = arith.constant 0 : i32
      %dma_start3A_81 = arith.constant 0 : i32
      %dma_start3A_82 = tpu.memref_slice %arg9[%run_scoped3A_69, %dma_start3A_80, %dma_start3A_81] : memref<1x128x128xf32, #tpu.memory_space<vmem>> -> memref<1x128x128xf32, #tpu.memory_space<vmem>>
      %dma_start3A_83 = tpu.memref_squeeze %dma_start3A_82 : memref<1x128x128xf32, #tpu.memory_space<vmem>> -> memref<128x128xf32, #tpu.memory_space<vmem>>
      %dma_start3A_84 = arith.constant 0 : i32
      %dma_start3A_85 = tpu.memref_slice %arg10[%add3A_68, %dma_start3A_84] : memref<10240x128xf32, #tpu.memory_space<vmem_shared>> -> memref<128x128xf32, #tpu.memory_space<vmem_shared>>
      %dma_start3A_86 = arith.constant 0 : i32
      %dma_start3A_87 = arith.constant 0 : i32
      %dma_start3A_88 = tpu.memref_slice %arg9[%run_scoped3A_69, %dma_start3A_86, %dma_start3A_87] : memref<1x128x128xf32, #tpu.memory_space<vmem>> -> memref<1x128x128xf32, #tpu.memory_space<vmem>>
      %dma_start3A_89 = tpu.memref_squeeze %dma_start3A_88 : memref<1x128x128xf32, #tpu.memory_space<vmem>> -> memref<128x128xf32, #tpu.memory_space<vmem>>
      %dma_start3A_90 = arith.constant 0 : i32
      %dma_start3A_91 = tpu.memref_slice %arg10[%add3A_68, %dma_start3A_90] : memref<10240x128xf32, #tpu.memory_space<vmem_shared>> -> memref<128x128xf32, #tpu.memory_space<vmem_shared>>
      tpu.enqueue_dma source(%dma_start3A_91 : memref<128x128xf32, #tpu.memory_space<vmem_shared>>) target(%dma_start3A_89 : memref<128x128xf32, #tpu.memory_space<vmem>>) target_semaphore(%run_scoped3A_79 : memref<!tpu.dma_semaphore, #tpu.memory_space<semaphore_mem>>)
      %dma_wait3A = arith.constant 0 : i32
      %dma_wait3A_92 = arith.constant 0 : i32
      %dma_wait3A_93 = tpu.memref_slice %arg9[%run_scoped3A_69, %dma_wait3A, %dma_wait3A_92] : memref<1x128x128xf32, #tpu.memory_space<vmem>> -> memref<1x128x128xf32, #tpu.memory_space<vmem>>
      %dma_wait3A_94 = tpu.memref_squeeze %dma_wait3A_93 : memref<1x128x128xf32, #tpu.memory_space<vmem>> -> memref<128x128xf32, #tpu.memory_space<vmem>>
      %dma_wait3A_95 = arith.constant 0 : i32
      %dma_wait3A_96 = tpu.memref_slice %arg10[%add3A_68, %dma_wait3A_95] : memref<10240x128xf32, #tpu.memory_space<vmem_shared>> -> memref<128x128xf32, #tpu.memory_space<vmem_shared>>
      %dma_wait3A_97 = arith.constant 0 : i32
      %dma_wait3A_98 = arith.constant 0 : i32
      %dma_wait3A_99 = tpu.memref_slice %arg9[%run_scoped3A_69, %dma_wait3A_97, %dma_wait3A_98] : memref<1x128x128xf32, #tpu.memory_space<vmem>> -> memref<1x128x128xf32, #tpu.memory_space<vmem>>
      %dma_wait3A_100 = tpu.memref_squeeze %dma_wait3A_99 : memref<1x128x128xf32, #tpu.memory_space<vmem>> -> memref<128x128xf32, #tpu.memory_space<vmem>>
      %dma_wait3A_101 = arith.constant 0 : i32
      %dma_wait3A_102 = tpu.memref_slice %arg10[%add3A_68, %dma_wait3A_101] : memref<10240x128xf32, #tpu.memory_space<vmem_shared>> -> memref<128x128xf32, #tpu.memory_space<vmem_shared>>
      tpu.wait_dma2 semaphore(%run_scoped3A_79 : memref<!tpu.dma_semaphore, #tpu.memory_space<semaphore_mem>>) src(%dma_wait3A_102 : memref<128x128xf32, #tpu.memory_space<vmem_shared>>) dst(%dma_wait3A_100 : memref<128x128xf32, #tpu.memory_space<vmem>>)
      tpu.yield
    }) : () -> ()
    %add3A_70 = arith.constant 384 : i32
    %add3A_71 = arith.addi %mul3A_2, %add3A_70 : i32
    %run_scoped3A_72 = arith.constant 0 : i32
    "tpu.region"() ({
      %run_scoped3A_79 = tpu.sem_alloc : memref<!tpu.dma_semaphore, #tpu.memory_space<semaphore_mem>>
      %dma_start3A_80 = arith.constant 0 : i32
      %dma_start3A_81 = arith.constant 0 : i32
      %dma_start3A_82 = tpu.memref_slice %arg9[%run_scoped3A_72, %dma_start3A_80, %dma_start3A_81] : memref<1x128x128xf32, #tpu.memory_space<vmem>> -> memref<1x128x128xf32, #tpu.memory_space<vmem>>
      %dma_start3A_83 = tpu.memref_squeeze %dma_start3A_82 : memref<1x128x128xf32, #tpu.memory_space<vmem>> -> memref<128x128xf32, #tpu.memory_space<vmem>>
      %dma_start3A_84 = arith.constant 0 : i32
      %dma_start3A_85 = tpu.memref_slice %arg6[%arg0, %add3A_71, %dma_start3A_84] : memref<2x10240x128xf32, #tpu.memory_space<hbm>> -> memref<1x128x128xf32, #tpu.memory_space<hbm>>
      %dma_start3A_86 = tpu.memref_squeeze %dma_start3A_85 : memref<1x128x128xf32, #tpu.memory_space<hbm>> -> memref<128x128xf32, #tpu.memory_space<hbm>>
      %dma_start3A_87 = arith.constant 0 : i32
      %dma_start3A_88 = tpu.memref_slice %arg6[%arg0, %add3A_71, %dma_start3A_87] : memref<2x10240x128xf32, #tpu.memory_space<hbm>> -> memref<1x128x128xf32, #tpu.memory_space<hbm>>
      %dma_start3A_89 = tpu.memref_squeeze %dma_start3A_88 : memref<1x128x128xf32, #tpu.memory_space<hbm>> -> memref<128x128xf32, #tpu.memory_space<hbm>>
      %dma_start3A_90 = arith.constant 0 : i32
      %dma_start3A_91 = arith.constant 0 : i32
      %dma_start3A_92 = tpu.memref_slice %arg9[%run_scoped3A_72, %dma_start3A_90, %dma_start3A_91] : memref<1x128x128xf32, #tpu.memory_space<vmem>> -> memref<1x128x128xf32, #tpu.memory_space<vmem>>
      %dma_start3A_93 = tpu.memref_squeeze %dma_start3A_92 : memref<1x128x128xf32, #tpu.memory_space<vmem>> -> memref<128x128xf32, #tpu.memory_space<vmem>>
      tpu.enqueue_dma source(%dma_start3A_93 : memref<128x128xf32, #tpu.memory_space<vmem>>) target(%dma_start3A_89 : memref<128x128xf32, #tpu.memory_space<hbm>>) target_semaphore(%run_scoped3A_79 : memref<!tpu.dma_semaphore, #tpu.memory_space<semaphore_mem>>)
      %dma_wait3A = arith.constant 0 : i32
      %dma_wait3A_94 = arith.constant 0 : i32
      %dma_wait3A_95 = tpu.memref_slice %arg9[%run_scoped3A_72, %dma_wait3A, %dma_wait3A_94] : memref<1x128x128xf32, #tpu.memory_space<vmem>> -> memref<1x128x128xf32, #tpu.memory_space<vmem>>
      %dma_wait3A_96 = tpu.memref_squeeze %dma_wait3A_95 : memref<1x128x128xf32, #tpu.memory_space<vmem>> -> memref<128x128xf32, #tpu.memory_space<vmem>>
      %dma_wait3A_97 = arith.constant 0 : i32
      %dma_wait3A_98 = tpu.memref_slice %arg6[%arg0, %add3A_71, %dma_wait3A_97] : memref<2x10240x128xf32, #tpu.memory_space<hbm>> -> memref<1x128x128xf32, #tpu.memory_space<hbm>>
      %dma_wait3A_99 = tpu.memref_squeeze %dma_wait3A_98 : memref<1x128x128xf32, #tpu.memory_space<hbm>> -> memref<128x128xf32, #tpu.memory_space<hbm>>
      %dma_wait3A_100 = arith.constant 0 : i32
      %dma_wait3A_101 = tpu.memref_slice %arg6[%arg0, %add3A_71, %dma_wait3A_100] : memref<2x10240x128xf32, #tpu.memory_space<hbm>> -> memref<1x128x128xf32, #tpu.memory_space<hbm>>
      %dma_wait3A_102 = tpu.memref_squeeze %dma_wait3A_101 : memref<1x128x128xf32, #tpu.memory_space<hbm>> -> memref<128x128xf32, #tpu.memory_space<hbm>>
      %dma_wait3A_103 = arith.constant 0 : i32
      %dma_wait3A_104 = arith.constant 0 : i32
      %dma_wait3A_105 = tpu.memref_slice %arg9[%run_scoped3A_72, %dma_wait3A_103, %dma_wait3A_104] : memref<1x128x128xf32, #tpu.memory_space<vmem>> -> memref<1x128x128xf32, #tpu.memory_space<vmem>>
      %dma_wait3A_106 = tpu.memref_squeeze %dma_wait3A_105 : memref<1x128x128xf32, #tpu.memory_space<vmem>> -> memref<128x128xf32, #tpu.memory_space<vmem>>
      tpu.wait_dma2 semaphore(%run_scoped3A_79 : memref<!tpu.dma_semaphore, #tpu.memory_space<semaphore_mem>>) src(%dma_wait3A_106 : memref<128x128xf32, #tpu.memory_space<vmem>>) dst(%dma_wait3A_102 : memref<128x128xf32, #tpu.memory_space<hbm>>)
      tpu.yield
    }) : () -> ()
    %add3A_73 = arith.constant 512 : i32
    %add3A_74 = arith.addi %mul3A_2, %add3A_73 : i32
    %run_scoped3A_75 = arith.constant 0 : i32
    "tpu.region"() ({
      %run_scoped3A_79 = tpu.sem_alloc : memref<!tpu.dma_semaphore, #tpu.memory_space<semaphore_mem>>
      %dma_start3A_80 = arith.constant 0 : i32
      %dma_start3A_81 = arith.constant 0 : i32
      %dma_start3A_82 = tpu.memref_slice %arg9[%run_scoped3A_75, %dma_start3A_80, %dma_start3A_81] : memref<1x128x128xf32, #tpu.memory_space<vmem>> -> memref<1x128x128xf32, #tpu.memory_space<vmem>>
      %dma_start3A_83 = tpu.memref_squeeze %dma_start3A_82 : memref<1x128x128xf32, #tpu.memory_space<vmem>> -> memref<128x128xf32, #tpu.memory_space<vmem>>
      %dma_start3A_84 = arith.constant 0 : i32
      %dma_start3A_85 = tpu.memref_slice %arg10[%add3A_74, %dma_start3A_84] : memref<10240x128xf32, #tpu.memory_space<vmem_shared>> -> memref<128x128xf32, #tpu.memory_space<vmem_shared>>
      %dma_start3A_86 = arith.constant 0 : i32
      %dma_start3A_87 = arith.constant 0 : i32
      %dma_start3A_88 = tpu.memref_slice %arg9[%run_scoped3A_75, %dma_start3A_86, %dma_start3A_87] : memref<1x128x128xf32, #tpu.memory_space<vmem>> -> memref<1x128x128xf32, #tpu.memory_space<vmem>>
      %dma_start3A_89 = tpu.memref_squeeze %dma_start3A_88 : memref<1x128x128xf32, #tpu.memory_space<vmem>> -> memref<128x128xf32, #tpu.memory_space<vmem>>
      %dma_start3A_90 = arith.constant 0 : i32
      %dma_start3A_91 = tpu.memref_slice %arg10[%add3A_74, %dma_start3A_90] : memref<10240x128xf32, #tpu.memory_space<vmem_shared>> -> memref<128x128xf32, #tpu.memory_space<vmem_shared>>
      tpu.enqueue_dma source(%dma_start3A_91 : memref<128x128xf32, #tpu.memory_space<vmem_shared>>) target(%dma_start3A_89 : memref<128x128xf32, #tpu.memory_space<vmem>>) target_semaphore(%run_scoped3A_79 : memref<!tpu.dma_semaphore, #tpu.memory_space<semaphore_mem>>)
      %dma_wait3A = arith.constant 0 : i32
      %dma_wait3A_92 = arith.constant 0 : i32
      %dma_wait3A_93 = tpu.memref_slice %arg9[%run_scoped3A_75, %dma_wait3A, %dma_wait3A_92] : memref<1x128x128xf32, #tpu.memory_space<vmem>> -> memref<1x128x128xf32, #tpu.memory_space<vmem>>
      %dma_wait3A_94 = tpu.memref_squeeze %dma_wait3A_93 : memref<1x128x128xf32, #tpu.memory_space<vmem>> -> memref<128x128xf32, #tpu.memory_space<vmem>>
      %dma_wait3A_95 = arith.constant 0 : i32
      %dma_wait3A_96 = tpu.memref_slice %arg10[%add3A_74, %dma_wait3A_95] : memref<10240x128xf32, #tpu.memory_space<vmem_shared>> -> memref<128x128xf32, #tpu.memory_space<vmem_shared>>
      %dma_wait3A_97 = arith.constant 0 : i32
      %dma_wait3A_98 = arith.constant 0 : i32
      %dma_wait3A_99 = tpu.memref_slice %arg9[%run_scoped3A_75, %dma_wait3A_97, %dma_wait3A_98] : memref<1x128x128xf32, #tpu.memory_space<vmem>> -> memref<1x128x128xf32, #tpu.memory_space<vmem>>
      %dma_wait3A_100 = tpu.memref_squeeze %dma_wait3A_99 : memref<1x128x128xf32, #tpu.memory_space<vmem>> -> memref<128x128xf32, #tpu.memory_space<vmem>>
      %dma_wait3A_101 = arith.constant 0 : i32
      %dma_wait3A_102 = tpu.memref_slice %arg10[%add3A_74, %dma_wait3A_101] : memref<10240x128xf32, #tpu.memory_space<vmem_shared>> -> memref<128x128xf32, #tpu.memory_space<vmem_shared>>
      tpu.wait_dma2 semaphore(%run_scoped3A_79 : memref<!tpu.dma_semaphore, #tpu.memory_space<semaphore_mem>>) src(%dma_wait3A_102 : memref<128x128xf32, #tpu.memory_space<vmem_shared>>) dst(%dma_wait3A_100 : memref<128x128xf32, #tpu.memory_space<vmem>>)
      tpu.yield
    }) : () -> ()
    %add3A_76 = arith.constant 512 : i32
    %add3A_77 = arith.addi %mul3A_2, %add3A_76 : i32
    %run_scoped3A_78 = arith.constant 0 : i32
    "tpu.region"() ({
      %run_scoped3A_79 = tpu.sem_alloc : memref<!tpu.dma_semaphore, #tpu.memory_space<semaphore_mem>>
      %dma_start3A_80 = arith.constant 0 : i32
      %dma_start3A_81 = arith.constant 0 : i32
      %dma_start3A_82 = tpu.memref_slice %arg9[%run_scoped3A_78, %dma_start3A_80, %dma_start3A_81] : memref<1x128x128xf32, #tpu.memory_space<vmem>> -> memref<1x128x128xf32, #tpu.memory_space<vmem>>
      %dma_start3A_83 = tpu.memref_squeeze %dma_start3A_82 : memref<1x128x128xf32, #tpu.memory_space<vmem>> -> memref<128x128xf32, #tpu.memory_space<vmem>>
      %dma_start3A_84 = arith.constant 0 : i32
      %dma_start3A_85 = tpu.memref_slice %arg6[%arg0, %add3A_77, %dma_start3A_84] : memref<2x10240x128xf32, #tpu.memory_space<hbm>> -> memref<1x128x128xf32, #tpu.memory_space<hbm>>
      %dma_start3A_86 = tpu.memref_squeeze %dma_start3A_85 : memref<1x128x128xf32, #tpu.memory_space<hbm>> -> memref<128x128xf32, #tpu.memory_space<hbm>>
      %dma_start3A_87 = arith.constant 0 : i32
      %dma_start3A_88 = tpu.memref_slice %arg6[%arg0, %add3A_77, %dma_start3A_87] : memref<2x10240x128xf32, #tpu.memory_space<hbm>> -> memref<1x128x128xf32, #tpu.memory_space<hbm>>
      %dma_start3A_89 = tpu.memref_squeeze %dma_start3A_88 : memref<1x128x128xf32, #tpu.memory_space<hbm>> -> memref<128x128xf32, #tpu.memory_space<hbm>>
      %dma_start3A_90 = arith.constant 0 : i32
      %dma_start3A_91 = arith.constant 0 : i32
      %dma_start3A_92 = tpu.memref_slice %arg9[%run_scoped3A_78, %dma_start3A_90, %dma_start3A_91] : memref<1x128x128xf32, #tpu.memory_space<vmem>> -> memref<1x128x128xf32, #tpu.memory_space<vmem>>
      %dma_start3A_93 = tpu.memref_squeeze %dma_start3A_92 : memref<1x128x128xf32, #tpu.memory_space<vmem>> -> memref<128x128xf32, #tpu.memory_space<vmem>>
      tpu.enqueue_dma source(%dma_start3A_93 : memref<128x128xf32, #tpu.memory_space<vmem>>) target(%dma_start3A_89 : memref<128x128xf32, #tpu.memory_space<hbm>>) target_semaphore(%run_scoped3A_79 : memref<!tpu.dma_semaphore, #tpu.memory_space<semaphore_mem>>)
      %dma_wait3A = arith.constant 0 : i32
      %dma_wait3A_94 = arith.constant 0 : i32
      %dma_wait3A_95 = tpu.memref_slice %arg9[%run_scoped3A_78, %dma_wait3A, %dma_wait3A_94] : memref<1x128x128xf32, #tpu.memory_space<vmem>> -> memref<1x128x128xf32, #tpu.memory_space<vmem>>
      %dma_wait3A_96 = tpu.memref_squeeze %dma_wait3A_95 : memref<1x128x128xf32, #tpu.memory_space<vmem>> -> memref<128x128xf32, #tpu.memory_space<vmem>>
      %dma_wait3A_97 = arith.constant 0 : i32
      %dma_wait3A_98 = tpu.memref_slice %arg6[%arg0, %add3A_77, %dma_wait3A_97] : memref<2x10240x128xf32, #tpu.memory_space<hbm>> -> memref<1x128x128xf32, #tpu.memory_space<hbm>>
      %dma_wait3A_99 = tpu.memref_squeeze %dma_wait3A_98 : memref<1x128x128xf32, #tpu.memory_space<hbm>> -> memref<128x128xf32, #tpu.memory_space<hbm>>
      %dma_wait3A_100 = arith.constant 0 : i32
      %dma_wait3A_101 = tpu.memref_slice %arg6[%arg0, %add3A_77, %dma_wait3A_100] : memref<2x10240x128xf32, #tpu.memory_space<hbm>> -> memref<1x128x128xf32, #tpu.memory_space<hbm>>
      %dma_wait3A_102 = tpu.memref_squeeze %dma_wait3A_101 : memref<1x128x128xf32, #tpu.memory_space<hbm>> -> memref<128x128xf32, #tpu.memory_space<hbm>>
      %dma_wait3A_103 = arith.constant 0 : i32
      %dma_wait3A_104 = arith.constant 0 : i32
      %dma_wait3A_105 = tpu.memref_slice %arg9[%run_scoped3A_78, %dma_wait3A_103, %dma_wait3A_104] : memref<1x128x128xf32, #tpu.memory_space<vmem>> -> memref<1x128x128xf32, #tpu.memory_space<vmem>>
      %dma_wait3A_106 = tpu.memref_squeeze %dma_wait3A_105 : memref<1x128x128xf32, #tpu.memory_space<vmem>> -> memref<128x128xf32, #tpu.memory_space<vmem>>
      tpu.wait_dma2 semaphore(%run_scoped3A_79 : memref<!tpu.dma_semaphore, #tpu.memory_space<semaphore_mem>>) src(%dma_wait3A_106 : memref<128x128xf32, #tpu.memory_space<vmem>>) dst(%dma_wait3A_102 : memref<128x128xf32, #tpu.memory_space<hbm>>)
      tpu.yield
    }) : () -> ()
    return
  }
}

module attributes {stable_mosaic.version = 14 : i64} {
  func.func @_tc_epilogue(%arg0: i32, %arg1: memref<2x400x128xf32, #tpu.memory_space<vmem>>, %arg2: memref<2x400x128xf32, #tpu.memory_space<vmem>>, %arg3: memref<400x128xf32, #tpu.memory_space<vmem>>, %arg4: memref<128x128xf32, #tpu.memory_space<vmem>>, %arg5: memref<128x128xf32, #tpu.memory_space<vmem>>, %arg6: memref<1x128xf32, #tpu.memory_space<vmem>>, %arg7: memref<400x128xf32, #tpu.memory_space<vmem>>) attributes {dimension_semantics = [#tpu.dimension_semantics<arbitrary>], iteration_bounds = array<i64: 25>, scalar_prefetch = 0 : i64, scratch_operands = 0 : i64, tpu.core_type = #tpu.core_type<tc>, window_params = [{transform_indices = @transform_0, window_bounds = array<i64: 2, 400, 128>}, {transform_indices = @transform_1, window_bounds = array<i64: 2, 400, 128>}, {transform_indices = @transform_2, window_bounds = array<i64: 400, 128>}, {pipeline_mode = #tpu.pipeline_mode<synchronous>, transform_indices = @transform_3, window_bounds = array<i64: 128, 128>}, {pipeline_mode = #tpu.pipeline_mode<synchronous>, transform_indices = @transform_4, window_bounds = array<i64: 128, 128>}, {pipeline_mode = #tpu.pipeline_mode<synchronous>, transform_indices = @transform_5, window_bounds = array<i64: 1, 128>}, {transform_indices = @transform_6, window_bounds = array<i64: 400, 128>}]} {
    %get3A = arith.constant 0 : index
    %get3A_0 = arith.constant 0 : index
    %get3A_1 = arith.constant 0 : index
    %get3A_2 = vector.load %arg1[%get3A, %get3A_0, %get3A_1] : memref<2x400x128xf32, #tpu.memory_space<vmem>>, vector<1x400x128xf32>
    %get3A_3 = vector.shape_cast %get3A_2 : vector<1x400x128xf32> to vector<400x128xf32>
    %get3A_4 = arith.constant 1 : index
    %get3A_5 = arith.constant 0 : index
    %get3A_6 = arith.constant 0 : index
    %get3A_7 = vector.load %arg1[%get3A_4, %get3A_5, %get3A_6] : memref<2x400x128xf32, #tpu.memory_space<vmem>>, vector<1x400x128xf32>
    %get3A_8 = vector.shape_cast %get3A_7 : vector<1x400x128xf32> to vector<400x128xf32>
    %add3A = arith.addf %get3A_3, %get3A_8 : vector<400x128xf32>
    %get3A_9 = arith.constant 0 : index
    %get3A_10 = arith.constant 0 : index
    %get3A_11 = arith.constant 0 : index
    %get3A_12 = vector.load %arg2[%get3A_9, %get3A_10, %get3A_11] : memref<2x400x128xf32, #tpu.memory_space<vmem>>, vector<1x400x128xf32>
    %get3A_13 = vector.shape_cast %get3A_12 : vector<1x400x128xf32> to vector<400x128xf32>
    %get3A_14 = arith.constant 1 : index
    %get3A_15 = arith.constant 0 : index
    %get3A_16 = arith.constant 0 : index
    %get3A_17 = vector.load %arg2[%get3A_14, %get3A_15, %get3A_16] : memref<2x400x128xf32, #tpu.memory_space<vmem>>, vector<1x400x128xf32>
    %get3A_18 = vector.shape_cast %get3A_17 : vector<1x400x128xf32> to vector<400x128xf32>
    %add3A_19 = arith.addf %get3A_13, %get3A_18 : vector<400x128xf32>
    %slice3A = vector.extract_strided_slice %add3A_19 {offsets = [0, 0], sizes = [400, 1], strides = [1, 1]} : vector<400x128xf32> to vector<400x1xf32>
    %jit3A = arith.constant 1.000000e+00 : f32
    %max3A = vector.broadcast %jit3A : f32 to vector<400x1xf32>
    %max3A_20 = arith.maximumf %max3A, %slice3A : vector<400x1xf32>
    %div3A = vector.broadcast %max3A_20 : vector<400x1xf32> to vector<400x128xf32>
    %div3A_21 = arith.divf %add3A, %div3A : vector<400x128xf32>
    %get3A_22 = arith.constant 0 : index
    %get3A_23 = arith.constant 0 : index
    %get3A_24 = vector.load %arg4[%get3A_22, %get3A_23] : memref<128x128xf32, #tpu.memory_space<vmem>>, vector<128x128xf32>
    %dot_general3A = arith.constant dense<0.000000e+00> : vector<400x128xf32>
    %dot_general3A_25 = tpu.matmul %div3A_21, %get3A_24, %dot_general3A {dimension_numbers = #tpu.dot_dimension_numbers<[1], [0], [0], [1], [0, 0, 1, 1], [], []>, transpose_lhs_hint = false} : vector<400x128xf32>, vector<128x128xf32>, vector<400x128xf32> -> vector<400x128xf32>
    %get3A_26 = arith.constant 0 : index
    %get3A_27 = arith.constant 0 : index
    %get3A_28 = vector.load %arg3[%get3A_26, %get3A_27] : memref<400x128xf32, #tpu.memory_space<vmem>>, vector<400x128xf32>
    %get3A_29 = arith.constant 0 : index
    %get3A_30 = arith.constant 0 : index
    %get3A_31 = vector.load %arg5[%get3A_29, %get3A_30] : memref<128x128xf32, #tpu.memory_space<vmem>>, vector<128x128xf32>
    %dot_general3A_32 = arith.constant dense<0.000000e+00> : vector<400x128xf32>
    %dot_general3A_33 = tpu.matmul %get3A_28, %get3A_31, %dot_general3A_32 {dimension_numbers = #tpu.dot_dimension_numbers<[1], [0], [0], [1], [0, 0, 1, 1], [], []>, transpose_lhs_hint = false} : vector<400x128xf32>, vector<128x128xf32>, vector<400x128xf32> -> vector<400x128xf32>
    %add3A_34 = arith.addf %dot_general3A_25, %dot_general3A_33 : vector<400x128xf32>
    %get3A_35 = arith.constant 0 : index
    %get3A_36 = arith.constant 0 : index
    %get3A_37 = vector.load %arg6[%get3A_35, %get3A_36] : memref<1x128xf32, #tpu.memory_space<vmem>>, vector<1x128xf32>
    %add3A_38 = vector.broadcast %get3A_37 : vector<1x128xf32> to vector<400x128xf32>
    %add3A_39 = arith.addf %add3A_34, %add3A_38 : vector<400x128xf32>
    %max3A_40 = arith.constant 0.000000e+00 : f32
    %max3A_41 = vector.broadcast %max3A_40 : f32 to vector<400x128xf32>
    %max3A_42 = arith.maximumf %add3A_39, %max3A_41 : vector<400x128xf32>
    %swap3A = arith.constant 0 : index
    %swap3A_43 = arith.constant 0 : index
    %swap3A_44 = vector.load %arg7[%swap3A, %swap3A_43] : memref<400x128xf32, #tpu.memory_space<vmem>>, vector<400x128xf32>
    tpu.vector_store %arg7[%swap3A, %swap3A_43], %max3A_42 {strides = array<i32>} : memref<400x128xf32, #tpu.memory_space<vmem>>, vector<400x128xf32>,
    return
  }
  func.func @transform_0(%arg0: i32) -> (i32, i32, i32) {
    %c0_i32 = arith.constant 0 : i32
    %c0_i32_0 = arith.constant 0 : i32
    %c0_i32_1 = arith.constant 0 : i32
    return %c0_i32, %arg0, %c0_i32_0 : i32, i32, i32
  }
  func.func @transform_1(%arg0: i32) -> (i32, i32, i32) {
    %c0_i32 = arith.constant 0 : i32
    %c0_i32_0 = arith.constant 0 : i32
    %c0_i32_1 = arith.constant 0 : i32
    return %c0_i32, %arg0, %c0_i32_0 : i32, i32, i32
  }
  func.func @transform_2(%arg0: i32) -> (i32, i32) {
    %c0_i32 = arith.constant 0 : i32
    %c0_i32_0 = arith.constant 0 : i32
    return %arg0, %c0_i32 : i32, i32
  }
  func.func @transform_3(%arg0: i32) -> (i32, i32) {
    %c0_i32 = arith.constant 0 : i32
    %c0_i32_0 = arith.constant 0 : i32
    %c0_i32_1 = arith.constant 0 : i32
    return %c0_i32, %c0_i32_0 : i32, i32
  }
  func.func @transform_4(%arg0: i32) -> (i32, i32) {
    %c0_i32 = arith.constant 0 : i32
    %c0_i32_0 = arith.constant 0 : i32
    %c0_i32_1 = arith.constant 0 : i32
    return %c0_i32, %c0_i32_0 : i32, i32
  }
  func.func @transform_5(%arg0: i32) -> (i32, i32) {
    %c0_i32 = arith.constant 0 : i32
    %c0_i32_0 = arith.constant 0 : i32
    %c0_i32_1 = arith.constant 0 : i32
    return %c0_i32, %c0_i32_0 : i32, i32
  }
  func.func @transform_6(%arg0: i32) -> (i32, i32) {
    %c0_i32 = arith.constant 0 : i32
    %c0_i32_0 = arith.constant 0 : i32
    return %arg0, %c0_i32 : i32, i32
  }
}

</mosaic_0001>

<sc_bundles>
// kernel: kernel.5.cloned.1.call-start
scs
__scs_entry_jumppad:
0x0: {  	(pc) =	sbr.rel $0x88, $3  }
0x1: {  	(tag) =	ssettag $0x0;
	lr =	simm.s32 $0x1  }
0x2: {  	[smem:$0x3F9C] =	sst lr;
	_ =	strace $0xD0000000  }
0x3: {  	_ = 	snop  }
0x4: {  	_ = 	snop  }
0x5: {  	_ = 	snop  }
0x6: {  	_ = 	snop  }
0x7: {  	_ = 	snop  }
__scs_overlays_trampoline_lowered:
0x8: {  	[smem:$0x3FAB] =	sst s0  }
0x9: {  	[smem:$0x3FAC] =	sst s1  }
0xa: {  	[smem:$0x3FAD] =	sst s2  }
0xb: {  	[smem:$0x3FAE] =	sst s3  }
0xc: {  	[smem:$0x3FAF] =	sst s4  }
0xd: {  	[smem:$0x3FB0] =	sst s5  }
0xe: {  	[smem:$0x3FB1] =	sst s6  }
0xf: {  	[smem:$0x3FB2] =	sst s7  }
0x10: {  	[smem:$0x3FB3] =	sst s8  }
0x11: {  	[smem:$0x3FB4] =	sst s9;
	s0 =	simm.s32 @!p0 $0x0  }
0x12: {  	s1 =	sld [smem:$0x3F9A];
	s0 =	simm.s32 @p0 $0x1  }
0x13: {  	[smem:$0x3FB5] =	sst s0;
	s0 =	simm.s32 @!p1 $0x0  }
0x14: {  	s2 =	sld [smem:$0x3F99];
	s0 =	simm.s32 @p1 $0x1  }
0x15: {  	[smem:$0x3FB6] =	sst s0;
	s0 =	simm.s32 @!p2 $0x0  }
0x16: {  	s3 =	sld [smem:$0x3FDB];
	s0 =	simm.s32 @p2 $0x1  }
0x17: {  	s4 =	simm.s32 $0x1BF5;
	[smem:$0x3FB8] =	sst s0  }
0x18: {  	s0 =	sld [smem:$0x3F9B];
	_ =	swait.ge [sflag:s4], $0x0  }
0x19: {  	s7 =	sld [smem:$0x3F9C]  }
0x1a: {  	s8 =	sadd.s32 $0xFFFFE003, lr  }
0x1b: {  	s9 =	sadd.s32 $0xFFFFFEF7, lr;
	s5 =	simm.s32 $0xFFFFFFFF;
	p2 =	slt.u32 s8, $0xFFFFF086  }
0x1c: {  	p1 =	slt.u32 s9, $0xF7A;
	s5 =	simm.s32 @!p2 $0x0  }
0x1d: {  	s5 =	simm.s32 @p1 $0x1;
	p0 =	seq.s32 s7, s2  }
0x1e: {  	s7 =	smul.u32 @!p0 $0xF7A, s2;
	p2 =	seq.s32 @!p0 s5, $0x0  }
0x1f: {  	s9 =	smul.u32 $0xF7A, s1;
	s8 =	simm.s32 @!p0 $0x1BF5;
	p2 =	por !p2, p0  }
0x20: {  	[sflag:s8] =	ssyncset.s32 @!p0 $0xFFFFF086;
	s6 =	sadd.s32 @!p0 s3, s7;
	s7 =	simm.s32 @!p0 $0x108  }
0x21: {  	s3 =	sadd.s32 s3, s9;
	s6 =	sadd.s32 @!p0 $0x88, s6;
	s7 =	simm.s32 @p2 $0x1082  }
0x22: {  	[simem:s7], [sflag:s8] =	dma.local @!p0 [hbm:s6], $0xF7A  }
0x23: {  	s9 =	sor.u32 $0xD0000000, s2;
	s6 =	simm.s32 $0x108;
	_ =	swait.ge @!p0 [sflag:s8], $0x0  }
0x24: {  	s3 =	sadd.s32 $0x88, s3;
	s6 =	simm.s32 @!p1 $0x1082;
	[sflag:s4] =	ssyncset.s32 $0xFFFFF086  }
0x25: {  	[simem:s6], [sflag:s4] =	dma.local [hbm:s3], $0xF7A  }
0x26: {  	[smem:$0x3F9C] =	sst s1;
	(tag) =	ssettag s2;
	_ =	strace s9  }
0x27: {  	s1 =	sld [smem:$0x3FAC]  }
0x28: {  	s2 =	sld [smem:$0x3FAD]  }
0x29: {  	s4 =	sld [smem:$0x3FAF]  }
0x2a: {  	p0 =	seq.s32 s5, $0x0;
	s5 =	sld [smem:$0x3FB0]  }
0x2b: {  	s6 =	sld [smem:$0x3FB1]  }
0x2c: {  	s7 =	sld [smem:$0x3FB2]  }
0x2d: {  	s3 =	simm.s32 $0x108;
	s8 =	sld [smem:$0x3FB3]  }
0x2e: {  	s3 =	simm.s32 @!p0 $0x1082;
	s9 =	sld [smem:$0x3FB4]  }
0x2f: {  	lr =	sadd.s32 s0, s3;
	s0 =	sld [smem:$0x3FAB]  }
0x30: {  	s3 =	sld [smem:$0x3FAE]  }
0x31: {  	[smem:$0x3FB7] =	sst s10  }
0x32: {  	s10 =	sld [smem:$0x3FB5];
	_ =	sdelay $0x3  }
0x33: {  	p0 =	seq.s32 s10, $0x1;
	s10 =	sld [smem:$0x3FB7];
	_ =	sdelay $0x3  }
0x34: {  	[smem:$0x3FB7] =	sst s10  }
0x35: {  	s10 =	sld [smem:$0x3FB6];
	_ =	sdelay $0x3  }
0x36: {  	p1 =	seq.s32 s10, $0x1;
	s10 =	sld [smem:$0x3FB7];
	_ =	sdelay $0x3  }
0x37: {  	[smem:$0x3FB7] =	sst s10  }
0x38: {  	s10 =	sld [smem:$0x3FB8]  }
0x39: {  	_ = 	snop;
	(pc) =	sbr.ind lr, $3  }
0x3a: {  	_ = 	snop  }
0x3b: {  	_ = 	snop  }
0x3c: {  	p2 =	seq.s32 s10, $0x1;
	s10 =	sld [smem:$0x3FB7]  }
0x3d: {  	_ =	shalt  }
0x3e: {  	_ =	shalt  }
0x3f: {  	_ =	shalt  }
0x40: {  	_ =	shalt  }
0x41: {  	_ =	shalt  }
0x42: {  	_ =	shalt  }
0x43: {  	_ =	shalt  }
0x44: {  	_ =	shalt  }
0x45: {  	_ =	shalt  }
0x46: {  	_ =	shalt  }
0x47: {  	_ =	shalt  }
0x48: {  	_ =	shalt  }
0x49: {  	_ =	shalt  }
0x4a: {  	_ =	shalt  }
0x4b: {  	_ =	shalt  }
0x4c: {  	_ =	shalt  }
0x4d: {  	_ =	shalt  }
0x4e: {  	_ =	shalt  }
0x4f: {  	_ =	shalt  }
0x50: {  	_ =	shalt  }
0x51: {  	_ =	shalt  }
0x52: {  	_ =	shalt  }
0x53: {  	_ =	shalt  }
0x54: {  	_ =	shalt  }
0x55: {  	_ =	shalt  }
0x56: {  	_ =	shalt  }
0x57: {  	_ =	shalt  }
0x58: {  	_ =	shalt  }
0x59: {  	_ =	shalt  }
0x5a: {  	_ =	shalt  }
0x5b: {  	_ =	shalt  }
0x5c: {  	_ =	shalt  }
0x5d: {  	_ =	shalt  }
0x5e: {  	_ =	shalt  }
0x5f: {  	_ =	shalt  }
0x60: {  	_ =	shalt  }
0x61: {  	_ =	shalt  }
0x62: {  	_ =	shalt  }
0x63: {  	_ =	shalt  }
0x64: {  	_ =	shalt  }
0x65: {  	_ =	shalt  }
0x66: {  	_ =	shalt  }
0x67: {  	_ =	shalt  }
0x68: {  	_ =	shalt  }
0x69: {  	_ =	shalt  }
0x6a: {  	_ =	shalt  }
0x6b: {  	_ =	shalt  }
0x6c: {  	_ =	shalt  }
0x6d: {  	_ =	shalt  }
0x6e: {  	_ =	shalt  }
0x6f: {  	_ =	shalt  }
0x70: {  	_ =	shalt  }
0x71: {  	_ =	shalt  }
0x72: {  	_ =	shalt  }
0x73: {  	_ =	shalt  }
0x74: {  	_ =	shalt  }
0x75: {  	_ =	shalt  }
0x76: {  	_ =	shalt  }
0x77: {  	_ =	shalt  }
0x78: {  	_ =	shalt  }
0x79: {  	_ =	shalt  }
0x7a: {  	_ =	shalt  }
0x7b: {  	_ =	shalt  }
0x7c: {  	_ =	shalt  }
0x7d: {  	_ =	shalt  }
0x7e: {  	_ =	shalt  }
0x7f: {  	_ =	shalt  }
0x80: {  	_ =	shalt  }
0x81: {  	_ =	shalt  }
0x82: {  	_ =	shalt  }
0x83: {  	_ =	shalt  }
0x84: {  	_ =	shalt  }
0x85: {  	_ =	shalt  }
0x86: {  	_ =	shalt  }
0x87: {  	_ =	shalt  }
.Lfunc_end0:
.L_simem_size_0:
called_computation_lowered:
.L_overlay_start_0:
0x88: {  	s2 =	sld [smem:$0x3FD9]  }
0x89: {  	s3 =	sld [smem:$0x3FFE];
	_ =	sdelay $0x1  }
0x8a: {  	s1 =	srdreg.scid  }
0x8b: {  	s0 =	sand.u32 $0x1, s1  }
0x8c: {  	s17 =	sshll.u32 s0, $0xA;
	s2 =	sadd.s32 s3, s2  }
0x8d: {  	s2 =	sadd.s32 s2, s17  }
0x8e: {  	[smem:$0x3FC3] =	sst s2  }
0x8f: {  	_ = 	snop  }
0x90: {  	s2 =	sld [smem:$0x3FC9]  }
0x91: {  	s18 =	sld [smem:$0x3FD0];
	(tm) =	ssettm $0x1  }
0x92: {  	s4 =	sld [smem:$0x3FFB];
	_ =	sdelay $0x3  }
0x93: {  	_ =	strace s4  }
0x94: {  	s4 =	sld [smem:$0x3FFC];
	_ =	sdelay $0x3  }
0x95: {  	_ =	strace s4  }
0x96: {  	s4 =	sld [smem:$0x3FFD];
	_ =	sdelay $0x3  }
0x97: {  	_ =	strace s4  }
0x98: {  	_ =	strace $0x8FFFFFFF  }
0x99: {  	s19 =	sld [smem:$0x3FDB];
	_ =	sdelay $0x1  }
0x9a: {  	s5 =	simm.s32 $_scs_section_size  }
0x9b: {  	s6 =	simm.s32 $_size__tile_overlayer_lowered;
	s7 =	simm.s32 $_tile_overlayer_lowered  }
0x9c: {  	s22 =	simm.s32 $0x1BFF;
	s21 =	sshll.u32 s7, $0x1;
	s4 =	sadd.s32 s5, s19  }
0x9d: {  	s8 =	simm.s32 $0x0;
	s20 =	sshll.u32 s6, $0x1;
	s6 =	sadd.s32 s21, s4  }
0x9e: {  	[timem:s8], [sflag:s22] =	dma.local [hbm:s6], s20  }
0x9f: {  	_ =	swait.ge [sflag:s22], s20  }
0xa0: {  	s5 =	ssub.s32 $0x0, s20;
	[sflag:s22] =	ssyncset.done $0x0  }
0xa1: {  	[sflag:s22] =	ssyncadd.s32 s5;
	_ =	sdelay $0x1  }
0xa2: {  	s23 =	simm.s32 $0x1B8B  }
0xa3: {  	_ =	swait.ge [sflag:s23], $0x1  }
0xa4: {  	[sflag:s23] =	ssyncset.done $0x0  }
0xa5: {  	s25 =	simm.s32 $0x1B8E;
	s24 =	sld [smem:$0x3FFE];
	[sflag:s23] =	ssyncadd.s32 $0xFFFFFFFF  }
0xa6: {  	s26 =	simm.s32 $execute0_lowered;
	[smem:$0x3FD2] =	sst s25  }
0xa7: {  	s6 =	sshll.u32 s26, $0x1;
	_ =	strace $0x80000046;
	[dreg:$0x1] =	wrdreg $0xFFFFFFFF  }
0xa8: {  	s28 =	simm.s32 $_size_execute0_lowered;
	s4 =	sadd.s32 s4, s6;
	[dreg:$0x0] =	wrdreg $0x0  }
0xa9: {  	s6 =	sshll.u32 s28, $0x1;
	[dreg:$0x2] =	wrdreg s4  }
0xaa: {  	[dreg:$0x3] =	wrdreg s6  }
0xab: {  	[dreg:$0x4] =	wrdreg $0xC0  }
0xac: {  	_ =	task [dreg:s8], $0x5FFFF  }
0xad: {  	[dreg:$0x1] =	wrdreg $0xFFFFFFFF  }
0xae: {  	[dreg:$0x0] =	wrdreg $0x60  }
0xaf: {  	[dreg:$0x2] =	wrdreg s24  }
0xb0: {  	[dreg:$0x3] =	wrdreg s18  }
0xb1: {  	[dreg:$0x4] =	wrdreg s2  }
0xb2: {  	[dreg:$0x5] =	wrdreg $0x42000  }
0xb3: {  	[dreg:$0x6] =	wrdreg $0x9  }
0xb4: {  	_ =	task.clear_ibuf [dreg:s8], $0x7FFFF;
	_ =	strace $0x90000046  }
0xb5: {  	s29 =	simm.s32 $0x9;
	_ =	strace $0x80000048  }
0xb6: {  	_ =	swait.ge [sflag:s29], $0x1  }
0xb7: {  	[sflag:s29] =	ssyncadd.s32 $0xFFFFFFFF  }
0xb8: {  	_ =	strace $0x90000048  }
0xb9: {  	_ =	sfence  }
0xba: {  	s30 =	sld [smem:$0x0];
	_ =	sdelay $0x2  }
0xbb: {  	s31 =	sshll.u32 s1, $0xD;
	s1 =	sshrl.u32 s1, $0x2  }
0xbc: {  	s3 =	sand.u32 $0x4000, s31;
	s1 =	sadd.s32 s1, s30  }
0xbd: {  	s0 =	sor.u32 s3, s0;
	s1 =	sshll.u32 s1, $0x11  }
0xbe: {  	s0 =	sor.u32 s1, s0  }
0xbf: {  	s0 =	sadd.s32 $0x8F2B, s0  }
0xc0: {  	[sflag:s0] =	ssyncadd.remote.s32 $0x1  }
0xc1: {  	_ =	sfence.sel $0xFFFF  }
0xc2: {  	[dreg:$0x0] =	wrdreg $0xFFFFFFFF;
	(pc) =	sbr.abs _section_cstart, $3  }
0xc3: {  	[dreg:$0x1] =	wrdreg $0xFFFFFFFF  }
0xc4: {  	_ =	task.clear_ibuf [dreg:s8], $0x2FFFF;
	_ =	strace $0x9FFFFFFF  }
0xc5: {  	(tm) =	ssettm $0x7FFFFFFF  }
tec
execute0_lowered:
.L_overlay_start_1:
0x0: {  	(tag) =	ssettag $0x1  }
0x1: {  	s0 =	rddreg [dreg:$0x0]  }
0x2: {  	s1 =	rddreg [dreg:$0x1]  }
0x3: {  	s2 =	rddreg [dreg:$0x2]  }
0x4: {  	s3 =	rddreg [dreg:$0x3]  }
0x5: {  	s4 =	simm.s32 $0x0;
	s5 =	srdreg.scid;
	s13 =	stileid.u32  }
0x6: {  	s28 =	simm.s32 $0x1;
	s29 =	simm.s32 $0x80;
	s30 =	simm.s32 $0x180  }
0x7: {  	s31 =	simm.s32 $0x3;
	[smem:$0x7FF] =	sst s4;
	s6 =	sadd.s32 $0x1200, s0  }
0x8: {  	s5 =	sand.u32 $0x1, s5;
	s7 =	sadd.s32 $0xB200, s0;
	s8 =	smul.u32 $0x50000, s13  }
0x9: {  	s0 =	sadd.s32 $0xBA00, s0;
	s15 =	smul.u32 $0x14000, s13;
	s22 =	sshll.u32 s13, $0x1  }
0xa: {  	_ =	strace $0x80000047;
	[dreg:$0x5] =	wrdreg s7;
	s20 =	smul.u32 $0x140000, s5  }
0xb: {  	s21 =	ssub.s32 $0x2, s5;
	s10 =	sor.u32 s5, s22;
	s5 =	smul.u32 $0x500, s5  }
0xc: {  	s9 =	sshrl.u32 s21, $0x1;
	s8 =	sshrl.u32 s8, $0x2;
	s16 =	sadd.s32 $0x4000, s15  }
0xd: {  	s17 =	sadd.s32 $0x8000, s15;
	s18 =	sadd.s32 $0xC000, s15;
	s19 =	sadd.s32 $0x10000, s15  }
0xe: {  	s7 =	ssub.s32 s21, s9;
	s8 =	sadd.s32 s8, s3;
	s9 =	sadd.s32 s16, s3  }
0xf: {  	s21 =	smul.u32 $0x500, s10;
	s10 =	sadd.s32 s17, s3;
	s11 =	sadd.s32 s18, s3  }
0x10: {  	s12 =	sadd.s32 s19, s3;
	s15 =	sadd.s32 s15, s20;
	s16 =	sadd.s32 s20, s16  }
0x11: {  	s17 =	sadd.s32 s20, s17;
	s18 =	sadd.s32 s20, s18;
	s19 =	sadd.s32 s20, s19  }
0x12: {  	s15 =	sshrl.u32 s15, $0x3;
	s16 =	sshrl.u32 s16, $0x3;
	s17 =	sshrl.u32 s17, $0x3  }
0x13: {  	s18 =	sshrl.u32 s18, $0x3;
	s19 =	sshrl.u32 s19, $0x3;
	s20 =	smax.u32 s7, $0x1  }
0x14: {  	s14 =	sadd.s32 s6, s21;
	s23 =	sadd.s32 s1, s21;
	s24 =	sadd.s32 s0, s15  }
0x15: {  	s25 =	sadd.s32 s0, s16;
	s17 =	sadd.s32 s0, s17;
	[dreg:$0x6] =	wrdreg s14  }
0x16: {  	s18 =	sadd.s32 s0, s18;
	s19 =	sadd.s32 s0, s19;
	[dreg:$0x7] =	wrdreg s23  }
0x17: {  	s26 =	sadd.s32 $0x4F0, s21;
	s0 =	simm.s32 $0x2;
	[dreg:$0x8] =	wrdreg s24  }
0x18: {  	[dreg:$0x9] =	wrdreg s25;
	s23 =	smul.u32 $0xA00, s13;
	s21 =	sadd.s32 s6, s26  }
0x19: {  	s22 =	sadd.s32 s1, s26;
	s24 =	simm.s32 $0x200;
	s25 =	simm.s32 $0x4  }
0x1a: {  	s26 =	simm.s32 $0x100;
	s23 =	sadd.s32 s5, s23;
	s5 =	simm.s32 $0x0  }
.LBB2_1:
0x1b: {  	s7 =	rddreg [dreg:$0x5]  }
0x1c: {  	[tilespmem:s24], [sflag:$0x4] =	stream.linear.gather [hbm4b:s7+s4], $0x4000, $0x38;
	[tilespmem:$0x18200] =	vst v63  }
0x1d: {  	_ =	swait.ge [sflag:s25], $0x4000  }
0x1e: {  	[sflag:s25] =	ssyncset.done $0x0  }
0x1f: {  	[sflag:s25] =	ssyncadd.s32 $0xFFFFC000  }
0x20: {  	[spmem:s8] =	stream.linear.scatter [tilespmem:s24], [sflag:$0x4], $0x4000, $0x38;
	[tilespmem:$0x18200] =	vst v63  }
0x21: {  	_ =	swait.ge [sflag:s25], $0x4000  }
0x22: {  	[sflag:s25] =	ssyncset.done $0x0  }
0x23: {  	[sflag:s25] =	ssyncadd.s32 $0xFFFFC000  }
0x24: {  	[spmem:s9] =	stream.linear.scatter [tilespmem:s24], [sflag:$0x4], $0x4000, $0x38;
	[tilespmem:$0x18200] =	vst v63  }
0x25: {  	_ =	swait.ge [sflag:s25], $0x4000  }
0x26: {  	[sflag:s25] =	ssyncset.done $0x0  }
0x27: {  	[sflag:s25] =	ssyncadd.s32 $0xFFFFC000  }
0x28: {  	[spmem:s10] =	stream.linear.scatter [tilespmem:s24], [sflag:$0x4], $0x4000, $0x38;
	[tilespmem:$0x18200] =	vst v63  }
0x29: {  	_ =	swait.ge [sflag:s25], $0x4000  }
0x2a: {  	[sflag:s25] =	ssyncset.done $0x0  }
0x2b: {  	[sflag:s25] =	ssyncadd.s32 $0xFFFFC000  }
0x2c: {  	[spmem:s11] =	stream.linear.scatter [tilespmem:s24], [sflag:$0x4], $0x4000, $0x38;
	[tilespmem:$0x18200] =	vst v63  }
0x2d: {  	_ =	swait.ge [sflag:s25], $0x4000  }
0x2e: {  	[sflag:s25] =	ssyncset.done $0x0  }
0x2f: {  	[sflag:s25] =	ssyncadd.s32 $0xFFFFC000  }
0x30: {  	[spmem:s12] =	stream.linear.scatter [tilespmem:s24], [sflag:$0x4], $0x4000, $0x38;
	[tilespmem:$0x18200] =	vst v63  }
0x31: {  	_ =	swait.ge [sflag:s25], $0x4000  }
0x32: {  	[sflag:s25] =	ssyncset.done $0x0  }
0x33: {  	[sflag:s25] =	ssyncadd.s32 $0xFFFFC000  }
0x34: {  	[bflag:$0x0] =	sbarrier.arrive $0xFFFF  }
0x35: {  	s14 =	rddreg [dreg:$0x6]  }
0x36: {  	[tilespmem:s4], [sflag:$0x1] =	stream.linear.gather [hbm4b:s14+s4], $0x80, $0x38;
	[tilespmem:$0x18200] =	vst v63  }
0x37: {  	s15 =	rddreg [dreg:$0x7]  }
0x38: {  	[tilespmem:s26], [sflag:$0x1] =	stream.linear.gather [hbm4b:s15+s4], $0x80, $0x38;
	[tilespmem:$0x18200] =	vst v63  }
0x39: {  	_ =	swait.ge [sflag:s28], $0x80  }
0x3a: {  	s13 =	sadd.s32 $0x0, s23;
	[sflag:s28] =	ssyncset.done $0x0  }
0x3b: {  	s16 =	sand.u32 $0xFFFFF80, s13;
	s14 =	sand.u32 $0x60, s4;
	[sflag:s28] =	ssyncadd.s32 $0xFFFFFF80  }
0x3c: {  	s7 =	sor.u32 s16, s14;
	_ =	swait.ge [sflag:s28], $0x80  }
0x3d: {  	s7 =	sor.u32 $0x10, s7;
	[sflag:s28] =	ssyncset.done $0x0  }
0x3e: {  	s15 =	sadd.s32 s6, s7;
	[sflag:s28] =	ssyncadd.s32 $0xFFFFFF80  }
0x3f: {  	[tilespmem:s29], [sflag:$0x2] =	stream.linear.gather [hbm4b:s15+s4], $0x80, $0x38;
	[tilespmem:$0x18200] =	vst v63  }
0x40: {  	s7 =	sadd.s32 s1, s7  }
0x41: {  	[tilespmem:s30], [sflag:$0x2] =	stream.linear.gather [hbm4b:s7+s4], $0x80, $0x38;
	[tilespmem:$0x18200] =	vst v63  }
0x42: {  	_ = 	snop  }
0x43: {  	[tilespmem:s24], [sflag:$0x3] =	stream.indirect.gather [hbm4b:s2+s29], $0x80, s4, s29, $0xb8;
	[tilespmem:$0x18200] =	vst v63  }
0x44: {  	_ =	swait.ge [sflag:s31], $0x4000  }
0x45: {  	[sflag:s31] =	ssyncset.done $0x0  }
0x46: {  	[sflag:s31] =	ssyncadd.s32 $0xFFFFC000  }
0x47: {  	[spmem:s3] =	stream.indirect.scatter.add.f32 [tilespmem:s24], [sflag:$0x4], $0x80, s26, s29, $0xb8;
	[tilespmem:$0x18200] =	vst v63  }
0x48: {  	_ =	swait.ge [sflag:s25], $0x4000  }
0x49: {  	[sflag:s25] =	ssyncset.done $0x0  }
0x4a: {  	[sflag:s25] =	ssyncadd.s32 $0xFFFFC000  }
0x4b: {  	_ =	swait.ge [sflag:s0], $0x80  }
0x4c: {  	[sflag:s0] =	ssyncset.done $0x0  }
0x4d: {  	s13 =	sadd.s32 $0x20, s13;
	s7 =	simm.s32 $0x20;
	[sflag:s0] =	ssyncadd.s32 $0xFFFFFF80  }
0x4e: {  	s13 =	sand.u32 $0xFFFFF80, s13;
	s16 =	sand.u32 $0x60, s7;
	_ =	swait.ge [sflag:s0], $0x80  }
0x4f: {  	s13 =	sor.u32 s16, s13;
	[sflag:s0] =	ssyncset.done $0x0  }
0x50: {  	s14 =	sadd.s32 s6, s13;
	[sflag:s0] =	ssyncadd.s32 $0xFFFFFF80  }
0x51: {  	[tilespmem:s4], [sflag:$0x1] =	stream.linear.gather [hbm4b:s14+s4], $0x80, $0x38;
	[tilespmem:$0x18200] =	vst v63  }
0x52: {  	s13 =	sadd.s32 s1, s13  }
0x53: {  	[tilespmem:s26], [sflag:$0x1] =	stream.linear.gather [hbm4b:s13+s4], $0x80, $0x38;
	[tilespmem:$0x18200] =	vst v63  }
0x54: {  	_ = 	snop  }
0x55: {  	[tilespmem:s24], [sflag:$0x3] =	stream.indirect.gather [hbm4b:s2+s29], $0x80, s29, s29, $0xb8;
	[tilespmem:$0x18200] =	vst v63  }
0x56: {  	_ =	swait.ge [sflag:s31], $0x4000  }
0x57: {  	[sflag:s31] =	ssyncset.done $0x0  }
0x58: {  	[sflag:s31] =	ssyncadd.s32 $0xFFFFC000  }
0x59: {  	[spmem:s3] =	stream.indirect.scatter.add.f32 [tilespmem:s24], [sflag:$0x4], $0x80, s30, s29, $0xb8;
	[tilespmem:$0x18200] =	vst v63  }
0x5a: {  	_ =	swait.ge [sflag:s25], $0x4000  }
0x5b: {  	[sflag:s25] =	ssyncset.done $0x0  }
.LBB2_2:
0x5c: {  	p0 =	sne.s32 s7, $0x4C0  }
0x5d: {  	[sflag:s25] =	ssyncadd.s32 $0xFFFFC000;
	s13 =	smov.u32 s7;
	s7 =	sadd.s32 $0x20, s7  }
0x5e: {  	_ =	swait.ge [sflag:s28], $0x80  }
0x5f: {  	s14 =	sadd.s32 s13, s23;
	s15 =	sand.u32 $0x60, s7;
	[sflag:s28] =	ssyncset.done $0x0  }
0x60: {  	s13 =	sand.u32 $0x60, s13;
	s16 =	sand.u32 $0xFFFFF80, s14;
	[sflag:s28] =	ssyncadd.s32 $0xFFFFFF80  }
0x61: {  	s14 =	sadd.s32 $0x20, s14;
	s13 =	sor.u32 s16, s13;
	_ =	swait.ge [sflag:s28], $0x80  }
0x62: {  	s14 =	sand.u32 $0xFFFFF80, s14;
	s13 =	sor.u32 $0x10, s13;
	[sflag:s28] =	ssyncset.done $0x0  }
0x63: {  	s14 =	sor.u32 s15, s14;
	s16 =	sadd.s32 s6, s13;
	[sflag:s28] =	ssyncadd.s32 $0xFFFFFF80  }
0x64: {  	[tilespmem:s29], [sflag:$0x2] =	stream.linear.gather [hbm4b:s16+s4], $0x80, $0x38;
	[tilespmem:$0x18200] =	vst v63  }
0x65: {  	s13 =	sadd.s32 s1, s13  }
0x66: {  	[tilespmem:s30], [sflag:$0x2] =	stream.linear.gather [hbm4b:s13+s4], $0x80, $0x38;
	[tilespmem:$0x18200] =	vst v63  }
0x67: {  	_ = 	snop  }
0x68: {  	[tilespmem:s24], [sflag:$0x3] =	stream.indirect.gather [hbm4b:s2+s29], $0x80, s4, s29, $0xb8;
	[tilespmem:$0x18200] =	vst v63  }
0x69: {  	_ =	swait.ge [sflag:s31], $0x4000  }
0x6a: {  	[sflag:s31] =	ssyncset.done $0x0  }
0x6b: {  	[sflag:s31] =	ssyncadd.s32 $0xFFFFC000  }
0x6c: {  	[spmem:s3] =	stream.indirect.scatter.add.f32 [tilespmem:s24], [sflag:$0x4], $0x80, s26, s29, $0xb8;
	[tilespmem:$0x18200] =	vst v63  }
0x6d: {  	_ =	swait.ge [sflag:s25], $0x4000  }
0x6e: {  	[sflag:s25] =	ssyncset.done $0x0  }
0x6f: {  	[sflag:s25] =	ssyncadd.s32 $0xFFFFC000  }
0x70: {  	_ =	swait.ge [sflag:s0], $0x80  }
0x71: {  	[sflag:s0] =	ssyncset.done $0x0  }
0x72: {  	[sflag:s0] =	ssyncadd.s32 $0xFFFFFF80  }
0x73: {  	_ =	swait.ge [sflag:s0], $0x80  }
0x74: {  	[sflag:s0] =	ssyncset.done $0x0  }
0x75: {  	s13 =	sadd.s32 s6, s14;
	[sflag:s0] =	ssyncadd.s32 $0xFFFFFF80  }
0x76: {  	[tilespmem:s4], [sflag:$0x1] =	stream.linear.gather [hbm4b:s13+s4], $0x80, $0x38;
	[tilespmem:$0x18200] =	vst v63  }
0x77: {  	s13 =	sadd.s32 s1, s14  }
0x78: {  	[tilespmem:s26], [sflag:$0x1] =	stream.linear.gather [hbm4b:s13+s4], $0x80, $0x38;
	[tilespmem:$0x18200] =	vst v63  }
0x79: {  	_ = 	snop  }
0x7a: {  	[tilespmem:s24], [sflag:$0x3] =	stream.indirect.gather [hbm4b:s2+s29], $0x80, s29, s29, $0xb8;
	[tilespmem:$0x18200] =	vst v63  }
0x7b: {  	_ =	swait.ge [sflag:s31], $0x4000  }
.Ltmp0:
0x7c: {  	[sflag:s31] =	ssyncset.done $0x0;
	(pc) =	sbr.rel @p0 .LBB2_2-.Ltmp0, $4  }
0x7d: {  	[sflag:s31] =	ssyncadd.s32 $0xFFFFC000  }
0x7e: {  	[spmem:s3] =	stream.indirect.scatter.add.f32 [tilespmem:s24], [sflag:$0x4], $0x80, s30, s29, $0xb8;
	[tilespmem:$0x18200] =	vst v63  }
0x7f: {  	_ =	swait.ge [sflag:s25], $0x4000  }
0x80: {  	[sflag:s25] =	ssyncset.done $0x0  }
0x81: {  	[sflag:s25] =	ssyncadd.s32 $0xFFFFC000  }
0x82: {  	_ =	swait.ge [sflag:s28], $0x80  }
0x83: {  	[sflag:s28] =	ssyncset.done $0x0  }
0x84: {  	[sflag:s28] =	ssyncadd.s32 $0xFFFFFF80  }
0x85: {  	_ =	swait.ge [sflag:s28], $0x80  }
0x86: {  	[sflag:s28] =	ssyncset.done $0x0  }
0x87: {  	[sflag:s28] =	ssyncadd.s32 $0xFFFFFF80  }
0x88: {  	[tilespmem:s29], [sflag:$0x2] =	stream.linear.gather [hbm4b:s21+s4], $0x80, $0x38;
	[tilespmem:$0x18200] =	vst v63  }
0x89: {  	_ = 	snop  }
0x8a: {  	[tilespmem:s30], [sflag:$0x2] =	stream.linear.gather [hbm4b:s22+s4], $0x80, $0x38;
	[tilespmem:$0x18200] =	vst v63  }
0x8b: {  	_ = 	snop  }
0x8c: {  	[tilespmem:s24], [sflag:$0x3] =	stream.indirect.gather [hbm4b:s2+s29], $0x80, s4, s29, $0xb8;
	[tilespmem:$0x18200] =	vst v63  }
0x8d: {  	_ =	swait.ge [sflag:s31], $0x4000  }
0x8e: {  	[sflag:s31] =	ssyncset.done $0x0  }
0x8f: {  	[sflag:s31] =	ssyncadd.s32 $0xFFFFC000  }
0x90: {  	[spmem:s3] =	stream.indirect.scatter.add.f32 [tilespmem:s24], [sflag:$0x4], $0x80, s26, s29, $0xb8;
	[tilespmem:$0x18200] =	vst v63  }
0x91: {  	_ =	swait.ge [sflag:s25], $0x4000  }
0x92: {  	[sflag:s25] =	ssyncset.done $0x0  }
0x93: {  	[sflag:s25] =	ssyncadd.s32 $0xFFFFC000  }
0x94: {  	_ =	swait.ge [sflag:s0], $0x80  }
0x95: {  	[sflag:s0] =	ssyncset.done $0x0  }
0x96: {  	[sflag:s0] =	ssyncadd.s32 $0xFFFFFF80  }
0x97: {  	_ =	swait.ge [sflag:s0], $0x80  }
0x98: {  	[sflag:s0] =	ssyncset.done $0x0  }
0x99: {  	[sflag:s0] =	ssyncadd.s32 $0xFFFFFF80  }
0x9a: {  	[tilespmem:s24], [sflag:$0x3] =	stream.indirect.gather [hbm4b:s2+s29], $0x80, s29, s29, $0xb8;
	[tilespmem:$0x18200] =	vst v63  }
0x9b: {  	_ =	swait.ge [sflag:s31], $0x4000  }
0x9c: {  	[sflag:s31] =	ssyncset.done $0x0  }
0x9d: {  	[sflag:s31] =	ssyncadd.s32 $0xFFFFC000  }
0x9e: {  	[spmem:s3] =	stream.indirect.scatter.add.f32 [tilespmem:s24], [sflag:$0x4], $0x80, s30, s29, $0xb8;
	[tilespmem:$0x18200] =	vst v63  }
0x9f: {  	_ =	swait.ge [sflag:s25], $0x4000  }
0xa0: {  	[sflag:s25] =	ssyncset.done $0x0  }
0xa1: {  	[sflag:s25] =	ssyncadd.s32 $0xFFFFC000  }
0xa2: {  	[bflag:$0x0] =	sbarrier.arrive $0xFFFF  }
0xa3: {  	[tilespmem:s24], [sflag:$0x4] =	stream.linear.gather [spmem:s8], $0x4000, $0x38;
	[tilespmem:$0x18200] =	vst v63  }
0xa4: {  	_ =	swait.ge [sflag:s25], $0x4000  }
0xa5: {  	[sflag:s25] =	ssyncset.done $0x0  }
0xa6: {  	s7 =	rddreg [dreg:$0x8];
	[sflag:s25] =	ssyncadd.s32 $0xFFFFC000  }
0xa7: {  	[hbm4b:s7+s4] =	stream.linear.scatter [tilespmem:s24], [sflag:$0x4], $0x4000, $0x38;
	[tilespmem:$0x18200] =	vst v63  }
0xa8: {  	_ =	swait.ge [sflag:s25], $0x4000  }
0xa9: {  	[sflag:s25] =	ssyncset.done $0x0  }
0xaa: {  	[sflag:s25] =	ssyncadd.s32 $0xFFFFC000  }
0xab: {  	[tilespmem:s24], [sflag:$0x4] =	stream.linear.gather [spmem:s9], $0x4000, $0x38;
	[tilespmem:$0x18200] =	vst v63  }
0xac: {  	_ =	swait.ge [sflag:s25], $0x4000  }
0xad: {  	[sflag:s25] =	ssyncset.done $0x0  }
0xae: {  	s16 =	rddreg [dreg:$0x9];
	[sflag:s25] =	ssyncadd.s32 $0xFFFFC000  }
0xaf: {  	[hbm4b:s16+s4] =	stream.linear.scatter [tilespmem:s24], [sflag:$0x4], $0x4000, $0x38;
	[tilespmem:$0x18200] =	vst v63  }
0xb0: {  	_ =	swait.ge [sflag:s25], $0x4000  }
0xb1: {  	[sflag:s25] =	ssyncset.done $0x0  }
0xb2: {  	[sflag:s25] =	ssyncadd.s32 $0xFFFFC000  }
0xb3: {  	[tilespmem:s24], [sflag:$0x4] =	stream.linear.gather [spmem:s10], $0x4000, $0x38;
	[tilespmem:$0x18200] =	vst v63  }
0xb4: {  	_ =	swait.ge [sflag:s25], $0x4000  }
0xb5: {  	[sflag:s25] =	ssyncset.done $0x0  }
0xb6: {  	[sflag:s25] =	ssyncadd.s32 $0xFFFFC000  }
0xb7: {  	[hbm4b:s17+s4] =	stream.linear.scatter [tilespmem:s24], [sflag:$0x4], $0x4000, $0x38;
	[tilespmem:$0x18200] =	vst v63  }
0xb8: {  	_ =	swait.ge [sflag:s25], $0x4000  }
0xb9: {  	[sflag:s25] =	ssyncset.done $0x0  }
0xba: {  	[sflag:s25] =	ssyncadd.s32 $0xFFFFC000  }
0xbb: {  	[tilespmem:s24], [sflag:$0x4] =	stream.linear.gather [spmem:s11], $0x4000, $0x38;
	[tilespmem:$0x18200] =	vst v63  }
0xbc: {  	_ =	swait.ge [sflag:s25], $0x4000  }
0xbd: {  	[sflag:s25] =	ssyncset.done $0x0  }
0xbe: {  	[sflag:s25] =	ssyncadd.s32 $0xFFFFC000  }
0xbf: {  	[hbm4b:s18+s4] =	stream.linear.scatter [tilespmem:s24], [sflag:$0x4], $0x4000, $0x38;
	[tilespmem:$0x18200] =	vst v63  }
0xc0: {  	_ =	swait.ge [sflag:s25], $0x4000  }
0xc1: {  	[sflag:s25] =	ssyncset.done $0x0  }
0xc2: {  	[sflag:s25] =	ssyncadd.s32 $0xFFFFC000  }
0xc3: {  	[tilespmem:s24], [sflag:$0x4] =	stream.linear.gather [spmem:s12], $0x4000, $0x38;
	[tilespmem:$0x18200] =	vst v63  }
0xc4: {  	s5 =	sadd.s32 $0x1, s5;
	_ =	swait.ge [sflag:s25], $0x4000  }
0xc5: {  	p0 =	sne.s32 s5, s20;
	[sflag:s25] =	ssyncset.done $0x0  }
.Ltmp1:
0xc6: {  	[sflag:s25] =	ssyncadd.s32 $0xFFFFC000;
	(pc) =	sbr.rel @p0 .LBB2_1-.Ltmp1, $4  }
0xc7: {  	[hbm4b:s19+s4] =	stream.linear.scatter [tilespmem:s24], [sflag:$0x4], $0x4000, $0x38;
	[tilespmem:$0x18200] =	vst v63  }
0xc8: {  	_ =	swait.ge [sflag:s25], $0x4000  }
0xc9: {  	[sflag:s25] =	ssyncset.done $0x0  }
0xca: {  	[sflag:s25] =	ssyncadd.s32 $0xFFFFC000  }
0xcb: {  	_ =	sfence.sel $0x180000  }
0xcc: {  	[bflag:$0x0] =	sbarrier.arrive $0xFFFF  }
0xcd: {  	_ =	strace $0x90000047  }
0xce: {  	s0 =	stileid.u32;
	[bflag:$0x2] =	sbarrier.arrive $0xFFFF  }
0xcf: {  	p0 =	sne.s32 s0, $0x0;
	s0 =	rddreg [dreg:$0x4]  }
0xd0: {  	s0 =	sadd.s32 @!p0 $0x100000, s0  }
0xd1: {  	[sflag:s0] =	ssyncadd.tile.s32 @!p0 $0x1;
	_ =	shalt  }
.Lfunc_end2:
_tile_overlayer_lowered:
.L_overlay_start_2:
0xd2: {  	(tag) =	ssettag $0x2  }
0xd3: {  	s0 =	rddreg [dreg:$0x0];
	s2 =	stileid.u32  }
0xd4: {  	s1 =	rddreg [dreg:$0x1];
	p0 =	sne.s32 s2, $0x0  }
0xd5: {  	s3 =	rddreg [dreg:$0x2];
	[bflag:$0x3] =	sbarrier.arrive $0xFFFF;
	s2 =	simm.s32 @!p0 $0x1C04  }
0xd6: {  	[timem:s3], [sflag:s2] =	dma.local @!p0 [hbm:s0], s1  }
0xd7: {  	s0 =	simm.s32 @!p0 $0x4  }
0xd8: {  	_ =	swait.ge @!p0 [sflag:s0], s1  }
0xd9: {  	s1 =	ssub.s32 @!p0 $0x0, s1;
	[sflag:s0] =	ssyncset.done @!p0 $0x0  }
0xda: {  	[sflag:s0] =	ssyncadd.s32 @!p0 s1  }
0xdb: {  	[bflag:$0x3] =	sbarrier.arrive $0xFFFF  }
0xdc: {  	_ =	shalt  }

// kernel: kernel.8.cloned.1.call-start
scs
__scs_entry_jumppad:
0x0: {  	(pc) =	sbr.rel $0x88, $3  }
0x1: {  	(tag) =	ssettag $0x0;
	lr =	simm.s32 $0x1  }
0x2: {  	[smem:$0x3F9C] =	sst lr;
	_ =	strace $0xD0000000  }
0x3: {  	_ = 	snop  }
0x4: {  	_ = 	snop  }
0x5: {  	_ = 	snop  }
0x6: {  	_ = 	snop  }
0x7: {  	_ = 	snop  }
__scs_overlays_trampoline_lowered:
0x8: {  	[smem:$0x3FAB] =	sst s0  }
0x9: {  	[smem:$0x3FAC] =	sst s1  }
0xa: {  	[smem:$0x3FAD] =	sst s2  }
0xb: {  	[smem:$0x3FAE] =	sst s3  }
0xc: {  	[smem:$0x3FAF] =	sst s4  }
0xd: {  	[smem:$0x3FB0] =	sst s5  }
0xe: {  	[smem:$0x3FB1] =	sst s6  }
0xf: {  	[smem:$0x3FB2] =	sst s7  }
0x10: {  	[smem:$0x3FB3] =	sst s8  }
0x11: {  	[smem:$0x3FB4] =	sst s9;
	s0 =	simm.s32 @!p0 $0x0  }
0x12: {  	s1 =	sld [smem:$0x3F9A];
	s0 =	simm.s32 @p0 $0x1  }
0x13: {  	[smem:$0x3FB5] =	sst s0;
	s0 =	simm.s32 @!p1 $0x0  }
0x14: {  	s2 =	sld [smem:$0x3F99];
	s0 =	simm.s32 @p1 $0x1  }
0x15: {  	[smem:$0x3FB6] =	sst s0;
	s0 =	simm.s32 @!p2 $0x0  }
0x16: {  	s3 =	sld [smem:$0x3FDB];
	s0 =	simm.s32 @p2 $0x1  }
0x17: {  	s4 =	simm.s32 $0x1BF5;
	[smem:$0x3FB8] =	sst s0  }
0x18: {  	s0 =	sld [smem:$0x3F9B];
	_ =	swait.ge [sflag:s4], $0x0  }
0x19: {  	s7 =	sld [smem:$0x3F9C]  }
0x1a: {  	s8 =	sadd.s32 $0xFFFFE003, lr  }
0x1b: {  	s9 =	sadd.s32 $0xFFFFFEF7, lr;
	s5 =	simm.s32 $0xFFFFFFFF;
	p2 =	slt.u32 s8, $0xFFFFF086  }
0x1c: {  	p1 =	slt.u32 s9, $0xF7A;
	s5 =	simm.s32 @!p2 $0x0  }
0x1d: {  	s5 =	simm.s32 @p1 $0x1;
	p0 =	seq.s32 s7, s2  }
0x1e: {  	s7 =	smul.u32 @!p0 $0xF7A, s2;
	p2 =	seq.s32 @!p0 s5, $0x0  }
0x1f: {  	s9 =	smul.u32 $0xF7A, s1;
	s8 =	simm.s32 @!p0 $0x1BF5;
	p2 =	por !p2, p0  }
0x20: {  	[sflag:s8] =	ssyncset.s32 @!p0 $0xFFFFF086;
	s6 =	sadd.s32 @!p0 s3, s7;
	s7 =	simm.s32 @!p0 $0x108  }
0x21: {  	s3 =	sadd.s32 s3, s9;
	s6 =	sadd.s32 @!p0 $0x88, s6;
	s7 =	simm.s32 @p2 $0x1082  }
0x22: {  	[simem:s7], [sflag:s8] =	dma.local @!p0 [hbm:s6], $0xF7A  }
0x23: {  	s9 =	sor.u32 $0xD0000000, s2;
	s6 =	simm.s32 $0x108;
	_ =	swait.ge @!p0 [sflag:s8], $0x0  }
0x24: {  	s3 =	sadd.s32 $0x88, s3;
	s6 =	simm.s32 @!p1 $0x1082;
	[sflag:s4] =	ssyncset.s32 $0xFFFFF086  }
0x25: {  	[simem:s6], [sflag:s4] =	dma.local [hbm:s3], $0xF7A  }
0x26: {  	[smem:$0x3F9C] =	sst s1;
	(tag) =	ssettag s2;
	_ =	strace s9  }
0x27: {  	s1 =	sld [smem:$0x3FAC]  }
0x28: {  	s2 =	sld [smem:$0x3FAD]  }
0x29: {  	s4 =	sld [smem:$0x3FAF]  }
0x2a: {  	p0 =	seq.s32 s5, $0x0;
	s5 =	sld [smem:$0x3FB0]  }
0x2b: {  	s6 =	sld [smem:$0x3FB1]  }
0x2c: {  	s7 =	sld [smem:$0x3FB2]  }
0x2d: {  	s3 =	simm.s32 $0x108;
	s8 =	sld [smem:$0x3FB3]  }
0x2e: {  	s3 =	simm.s32 @!p0 $0x1082;
	s9 =	sld [smem:$0x3FB4]  }
0x2f: {  	lr =	sadd.s32 s0, s3;
	s0 =	sld [smem:$0x3FAB]  }
0x30: {  	s3 =	sld [smem:$0x3FAE]  }
0x31: {  	[smem:$0x3FB7] =	sst s10  }
0x32: {  	s10 =	sld [smem:$0x3FB5];
	_ =	sdelay $0x3  }
0x33: {  	p0 =	seq.s32 s10, $0x1;
	s10 =	sld [smem:$0x3FB7];
	_ =	sdelay $0x3  }
0x34: {  	[smem:$0x3FB7] =	sst s10  }
0x35: {  	s10 =	sld [smem:$0x3FB6];
	_ =	sdelay $0x3  }
0x36: {  	p1 =	seq.s32 s10, $0x1;
	s10 =	sld [smem:$0x3FB7];
	_ =	sdelay $0x3  }
0x37: {  	[smem:$0x3FB7] =	sst s10  }
0x38: {  	s10 =	sld [smem:$0x3FB8]  }
0x39: {  	_ = 	snop;
	(pc) =	sbr.ind lr, $3  }
0x3a: {  	_ = 	snop  }
0x3b: {  	_ = 	snop  }
0x3c: {  	p2 =	seq.s32 s10, $0x1;
	s10 =	sld [smem:$0x3FB7]  }
0x3d: {  	_ =	shalt  }
0x3e: {  	_ =	shalt  }
0x3f: {  	_ =	shalt  }
0x40: {  	_ =	shalt  }
0x41: {  	_ =	shalt  }
0x42: {  	_ =	shalt  }
0x43: {  	_ =	shalt  }
0x44: {  	_ =	shalt  }
0x45: {  	_ =	shalt  }
0x46: {  	_ =	shalt  }
0x47: {  	_ =	shalt  }
0x48: {  	_ =	shalt  }
0x49: {  	_ =	shalt  }
0x4a: {  	_ =	shalt  }
0x4b: {  	_ =	shalt  }
0x4c: {  	_ =	shalt  }
0x4d: {  	_ =	shalt  }
0x4e: {  	_ =	shalt  }
0x4f: {  	_ =	shalt  }
0x50: {  	_ =	shalt  }
0x51: {  	_ =	shalt  }
0x52: {  	_ =	shalt  }
0x53: {  	_ =	shalt  }
0x54: {  	_ =	shalt  }
0x55: {  	_ =	shalt  }
0x56: {  	_ =	shalt  }
0x57: {  	_ =	shalt  }
0x58: {  	_ =	shalt  }
0x59: {  	_ =	shalt  }
0x5a: {  	_ =	shalt  }
0x5b: {  	_ =	shalt  }
0x5c: {  	_ =	shalt  }
0x5d: {  	_ =	shalt  }
0x5e: {  	_ =	shalt  }
0x5f: {  	_ =	shalt  }
0x60: {  	_ =	shalt  }
0x61: {  	_ =	shalt  }
0x62: {  	_ =	shalt  }
0x63: {  	_ =	shalt  }
0x64: {  	_ =	shalt  }
0x65: {  	_ =	shalt  }
0x66: {  	_ =	shalt  }
0x67: {  	_ =	shalt  }
0x68: {  	_ =	shalt  }
0x69: {  	_ =	shalt  }
0x6a: {  	_ =	shalt  }
0x6b: {  	_ =	shalt  }
0x6c: {  	_ =	shalt  }
0x6d: {  	_ =	shalt  }
0x6e: {  	_ =	shalt  }
0x6f: {  	_ =	shalt  }
0x70: {  	_ =	shalt  }
0x71: {  	_ =	shalt  }
0x72: {  	_ =	shalt  }
0x73: {  	_ =	shalt  }
0x74: {  	_ =	shalt  }
0x75: {  	_ =	shalt  }
0x76: {  	_ =	shalt  }
0x77: {  	_ =	shalt  }
0x78: {  	_ =	shalt  }
0x79: {  	_ =	shalt  }
0x7a: {  	_ =	shalt  }
0x7b: {  	_ =	shalt  }
0x7c: {  	_ =	shalt  }
0x7d: {  	_ =	shalt  }
0x7e: {  	_ =	shalt  }
0x7f: {  	_ =	shalt  }
0x80: {  	_ =	shalt  }
0x81: {  	_ =	shalt  }
0x82: {  	_ =	shalt  }
0x83: {  	_ =	shalt  }
0x84: {  	_ =	shalt  }
0x85: {  	_ =	shalt  }
0x86: {  	_ =	shalt  }
0x87: {  	_ =	shalt  }
.Lfunc_end0:
.L_simem_size_0:
called_computation.1_lowered:
.L_overlay_start_0:
0x88: {  	s2 =	sld [smem:$0x3FD9]  }
0x89: {  	s3 =	sld [smem:$0x3FFE];
	_ =	sdelay $0x1  }
0x8a: {  	s1 =	srdreg.scid  }
0x8b: {  	s0 =	sand.u32 $0x1, s1  }
0x8c: {  	s17 =	sshll.u32 s0, $0xA;
	s2 =	sadd.s32 s3, s2  }
0x8d: {  	s2 =	sadd.s32 s2, s17  }
0x8e: {  	[smem:$0x3FC3] =	sst s2  }
0x8f: {  	_ = 	snop  }
0x90: {  	s18 =	sld [smem:$0x3FD0];
	(tm) =	ssettm $0x1  }
0x91: {  	s19 =	sld [smem:$0x3FFB];
	_ =	sdelay $0x3  }
0x92: {  	_ =	strace s19  }
0x93: {  	s2 =	sld [smem:$0x3FFC];
	_ =	sdelay $0x3  }
0x94: {  	_ =	strace s2  }
0x95: {  	s2 =	sld [smem:$0x3FFD];
	_ =	sdelay $0x3  }
0x96: {  	_ =	strace s2  }
0x97: {  	_ =	strace $0x8FFFFFFF  }
0x98: {  	s20 =	sld [smem:$0x3FDB];
	_ =	sdelay $0x1  }
0x99: {  	s4 =	simm.s32 $_scs_section_size  }
0x9a: {  	s5 =	simm.s32 $_size__tile_overlayer_lowered;
	s6 =	simm.s32 $_tile_overlayer_lowered  }
0x9b: {  	s7 =	simm.s32 $0x1BFF;
	s21 =	sshll.u32 s6, $0x1;
	s4 =	sadd.s32 s4, s20  }
0x9c: {  	s22 =	simm.s32 $0x0;
	s5 =	sshll.u32 s5, $0x1;
	s6 =	sadd.s32 s21, s4  }
0x9d: {  	[timem:s22], [sflag:s7] =	dma.local [hbm:s6], s5  }
0x9e: {  	_ =	swait.ge [sflag:s7], s5  }
0x9f: {  	s5 =	ssub.s32 $0x0, s5;
	[sflag:s7] =	ssyncset.done $0x0  }
0xa0: {  	[sflag:s7] =	ssyncadd.s32 s5;
	_ =	sdelay $0x1  }
0xa1: {  	s23 =	simm.s32 $0x1B8B  }
0xa2: {  	_ =	swait.ge [sflag:s23], $0x1  }
0xa3: {  	[sflag:s23] =	ssyncset.done $0x0  }
0xa4: {  	[sflag:s23] =	ssyncadd.s32 $0xFFFFFFFF  }
0xa5: {  	s5 =	sld [smem:$0x0]  }
0xa6: {  	s6 =	sand.u32 $0xFFFFFFFE, s1  }
0xa7: {  	p0 =	sne.s32 s1, s6  }
0xa8: {  	s6 =	sshll.u32 @p0 s6, $0xE  }
0xa9: {  	s6 =	sadd.s32 @p0 $0x11B8D, s6;
	s7 =	sshll.u32 @p0 s5, $0x11  }
0xaa: {  	s6 =	sor.u32 @p0 s7, s6  }
0xab: {  	[sflag:s6] =	ssyncadd.remote.s32 @p0 $0x1;
	_ =	sdelay $0x1  }
0xac: {  	s6 =	simm.s32 @p0 $0x1B8D  }
0xad: {  	_ =	swait.eq @p0 [sflag:s6], $0x1  }
0xae: {  	[sflag:s6] =	ssyncadd.s32 @p0 $0xFFFFFFFF  }
0xaf: {  	s7 =	sshll.u32 @!p0 s1, $0xE  }
0xb0: {  	s7 =	sor.u32 @!p0 $0x4000, s7;
	s6 =	simm.s32 @!p0 $0x1B8D  }
0xb1: {  	s5 =	sshll.u32 @!p0 s5, $0x11;
	s7 =	sadd.s32 @!p0 $0x11B8D, s7;
	_ =	swait.eq @!p0 [sflag:s6], $0x1  }
0xb2: {  	s5 =	sor.u32 @!p0 s5, s7;
	[sflag:s6] =	ssyncadd.s32 @!p0 $0xFFFFFFFF  }
0xb3: {  	s25 =	simm.s32 $0x1B8E;
	s24 =	sld [smem:$0x3FFE];
	[sflag:s5] =	ssyncadd.remote.s32 @!p0 $0x1  }
0xb4: {  	s26 =	simm.s32 $execute0_lowered;
	[smem:$0x3FD2] =	sst s25  }
0xb5: {  	s6 =	sshll.u32 s26, $0x1;
	_ =	strace $0x80000049;
	[dreg:$0x1] =	wrdreg $0xFFFFFFFF  }
0xb6: {  	s28 =	simm.s32 $_size_execute0_lowered;
	s4 =	sadd.s32 s4, s6;
	[dreg:$0x0] =	wrdreg $0x0  }
0xb7: {  	s6 =	sshll.u32 s28, $0x1;
	[dreg:$0x2] =	wrdreg s4  }
0xb8: {  	[dreg:$0x3] =	wrdreg s6  }
0xb9: {  	[dreg:$0x4] =	wrdreg $0xC0  }
0xba: {  	_ =	task [dreg:s22], $0x5FFFF  }
0xbb: {  	[dreg:$0x1] =	wrdreg $0xFFFFFFFF  }
0xbc: {  	[dreg:$0x0] =	wrdreg $0x60  }
0xbd: {  	[dreg:$0x2] =	wrdreg s18  }
0xbe: {  	[dreg:$0x3] =	wrdreg s24  }
0xbf: {  	[dreg:$0x4] =	wrdreg $0x41000  }
0xc0: {  	[dreg:$0x5] =	wrdreg $0xA  }
0xc1: {  	_ =	task.clear_ibuf [dreg:s22], $0x6FFFF;
	_ =	strace $0x90000049  }
0xc2: {  	s29 =	simm.s32 $0xA;
	_ =	strace $0x8000004B  }
0xc3: {  	_ =	swait.ge [sflag:s29], $0x1  }
0xc4: {  	[sflag:s29] =	ssyncadd.s32 $0xFFFFFFFF  }
0xc5: {  	_ =	strace $0x9000004B  }
0xc6: {  	_ =	sfence  }
0xc7: {  	s30 =	sld [smem:$0x0];
	_ =	sdelay $0x2  }
0xc8: {  	s31 =	sshll.u32 s1, $0xD;
	s1 =	sshrl.u32 s1, $0x2  }
0xc9: {  	s4 =	sand.u32 $0x4000, s31;
	s1 =	sadd.s32 s1, s30  }
0xca: {  	s0 =	sor.u32 s4, s0;
	s1 =	sshll.u32 s1, $0x11  }
0xcb: {  	s0 =	sor.u32 s1, s0  }
0xcc: {  	s0 =	sadd.s32 $0x8F2B, s0  }
0xcd: {  	[sflag:s0] =	ssyncadd.remote.s32 $0x1  }
0xce: {  	_ =	sfence.sel $0xFFFF  }
0xcf: {  	[dreg:$0x0] =	wrdreg $0xFFFFFFFF;
	(pc) =	sbr.abs _section_cstart, $3  }
0xd0: {  	[dreg:$0x1] =	wrdreg $0xFFFFFFFF  }
0xd1: {  	_ =	task.clear_ibuf [dreg:s22], $0x2FFFF;
	_ =	strace $0x9FFFFFFF  }
0xd2: {  	(tm) =	ssettm $0x7FFFFFFF  }
0xd3: {  	_ =	shalt  }
tec
execute0_lowered:
.L_overlay_start_1:
0x0: {  	(tag) =	ssettag $0x1  }
0x1: {  	s1 =	rddreg [dreg:$0x0]  }
0x2: {  	s7 =	rddreg [dreg:$0x1]  }
0x3: {  	s2 =	rddreg [dreg:$0x2];
	s3 =	simm.s32 $0x0  }
0x4: {  	s6 =	srdreg.scid;
	s4 =	stileid.u32;
	s23 =	simm.s32 $0x1  }
0x5: {  	s24 =	simm.s32 $0x80;
	s25 =	simm.s32 $0x2;
	[smem:$0x7FF] =	sst s3  }
0x6: {  	s5 =	sadd.s32 $0xB200, s7;
	s15 =	sand.u32 $0x1, s6;
	s9 =	smul.u32 $0x50000, s4  }
0x7: {  	s6 =	sadd.s32 $0x5BA00, s7;
	s17 =	sadd.s32 $0x5C200, s7;
	s13 =	smul.u32 $0x14000, s4  }
0x8: {  	s28 =	sshll.u32 s4, $0x1;
	s31 =	smul.u32 $0xA00, s4;
	_ =	strace $0x8000004A  }
0x9: {  	s8 =	ssub.s32 $0x2, s15;
	s30 =	sor.u32 s15, s28;
	s21 =	smul.u32 $0x140000, s15  }
0xa: {  	s22 =	smul.u32 $0x500, s15;
	s26 =	sshrl.u32 s8, $0x1;
	s29 =	sshrl.u32 s9, $0x2  }
0xb: {  	s14 =	sadd.s32 $0x4000, s13;
	s16 =	sadd.s32 $0x8000, s13;
	s12 =	smul.u32 $0x500, s30  }
0xc: {  	s19 =	sadd.s32 $0xC000, s13;
	s20 =	sadd.s32 $0x10000, s13;
	s18 =	ssub.s32 s8, s26  }
0xd: {  	s7 =	sadd.s32 s29, s2;
	s8 =	sadd.s32 s14, s2;
	s9 =	sadd.s32 s16, s2  }
0xe: {  	s10 =	sadd.s32 s19, s2;
	s11 =	sadd.s32 s20, s2;
	s13 =	sadd.s32 s13, s21  }
0xf: {  	s14 =	sadd.s32 s21, s14;
	s16 =	sadd.s32 s21, s16;
	s19 =	sadd.s32 s21, s19  }
0x10: {  	s20 =	sadd.s32 s21, s20;
	s21 =	simm.s32 $0x100;
	s26 =	simm.s32 $0x0  }
0x11: {  	s12 =	sadd.s32 s1, s12;
	s13 =	sshrl.u32 s13, $0x3;
	s14 =	sshrl.u32 s14, $0x3  }
0x12: {  	s16 =	sshrl.u32 s16, $0x3;
	s19 =	sshrl.u32 s19, $0x3;
	s20 =	sshrl.u32 s20, $0x3  }
0x13: {  	s18 =	smax.u32 s18, $0x1;
	s13 =	sadd.s32 s17, s13;
	s14 =	sadd.s32 s17, s14  }
0x14: {  	s15 =	sadd.s32 s17, s16;
	s16 =	sadd.s32 s17, s19;
	s17 =	sadd.s32 s17, s20  }
0x15: {  	s19 =	sadd.s32 $0x4F0, s12;
	s20 =	sadd.s32 s22, s31;
	s22 =	simm.s32 $0x3  }
.LBB2_1:
0x16: {  	[tilespmem:s21], [sflag:$0x3] =	stream.linear.gather [hbm4b:s5+s3], $0x4000, $0x38;
	[tilespmem:$0x18100] =	vst v63  }
0x17: {  	_ =	swait.ge [sflag:s22], $0x4000  }
0x18: {  	[sflag:s22] =	ssyncset.done $0x0  }
0x19: {  	[sflag:s22] =	ssyncadd.s32 $0xFFFFC000  }
0x1a: {  	[spmem:s7] =	stream.linear.scatter [tilespmem:s21], [sflag:$0x3], $0x4000, $0x38;
	[tilespmem:$0x18100] =	vst v63  }
0x1b: {  	_ =	swait.ge [sflag:s22], $0x4000  }
0x1c: {  	[sflag:s22] =	ssyncset.done $0x0  }
0x1d: {  	[sflag:s22] =	ssyncadd.s32 $0xFFFFC000  }
0x1e: {  	[spmem:s8] =	stream.linear.scatter [tilespmem:s21], [sflag:$0x3], $0x4000, $0x38;
	[tilespmem:$0x18100] =	vst v63  }
0x1f: {  	_ =	swait.ge [sflag:s22], $0x4000  }
0x20: {  	[sflag:s22] =	ssyncset.done $0x0  }
0x21: {  	[sflag:s22] =	ssyncadd.s32 $0xFFFFC000  }
0x22: {  	[spmem:s9] =	stream.linear.scatter [tilespmem:s21], [sflag:$0x3], $0x4000, $0x38;
	[tilespmem:$0x18100] =	vst v63  }
0x23: {  	_ =	swait.ge [sflag:s22], $0x4000  }
0x24: {  	[sflag:s22] =	ssyncset.done $0x0  }
0x25: {  	[sflag:s22] =	ssyncadd.s32 $0xFFFFC000  }
0x26: {  	[spmem:s10] =	stream.linear.scatter [tilespmem:s21], [sflag:$0x3], $0x4000, $0x38;
	[tilespmem:$0x18100] =	vst v63  }
0x27: {  	_ =	swait.ge [sflag:s22], $0x4000  }
0x28: {  	[sflag:s22] =	ssyncset.done $0x0  }
0x29: {  	[sflag:s22] =	ssyncadd.s32 $0xFFFFC000  }
0x2a: {  	[spmem:s11] =	stream.linear.scatter [tilespmem:s21], [sflag:$0x3], $0x4000, $0x38;
	[tilespmem:$0x18100] =	vst v63  }
0x2b: {  	_ =	swait.ge [sflag:s22], $0x4000  }
0x2c: {  	[sflag:s22] =	ssyncset.done $0x0  }
0x2d: {  	[sflag:s22] =	ssyncadd.s32 $0xFFFFC000  }
0x2e: {  	[tilespmem:s21], [sflag:$0x3] =	stream.linear.gather [hbm4b:s6+s3], $0x4000, $0x38;
	[tilespmem:$0x18100] =	vst v63  }
0x2f: {  	_ =	swait.ge [sflag:s22], $0x4000  }
0x30: {  	[sflag:s22] =	ssyncset.done $0x0  }
0x31: {  	[sflag:s22] =	ssyncadd.s32 $0xFFFFC000  }
0x32: {  	s29 =	sadd.s32 $0x0, s20;
	s28 =	sand.u32 $0x60, s3;
	[bflag:$0x0] =	sbarrier.arrive $0xFFFF  }
0x33: {  	[tilespmem:s3], [sflag:$0x1] =	stream.linear.gather [hbm4b:s12+s3], $0x80, $0x38;
	[tilespmem:$0x18100] =	vst v63  }
0x34: {  	s30 =	sand.u32 $0xFFFFF80, s29;
	s28 =	sadd.s32 s28, s1;
	_ =	swait.ge [sflag:s23], $0x80  }
0x35: {  	s28 =	sadd.s32 s30, s28;
	[sflag:s23] =	ssyncset.done $0x0  }
0x36: {  	s28 =	sadd.s32 $0x10, s28;
	[sflag:s23] =	ssyncadd.s32 $0xFFFFFF80  }
0x37: {  	[tilespmem:s24], [sflag:$0x2] =	stream.linear.gather [hbm4b:s28+s3], $0x80, $0x38;
	[tilespmem:$0x18100] =	vst v63  }
0x38: {  	_ = 	snop  }
0x39: {  	[spmem:s2] =	stream.indirect.scatter.add.f32 [tilespmem:s21], [sflag:$0x3], $0x80, s3, s24, $0xb8;
	[tilespmem:$0x18100] =	vst v63  }
0x3a: {  	_ =	swait.ge [sflag:s22], $0x4000  }
0x3b: {  	[sflag:s22] =	ssyncset.done $0x0  }
0x3c: {  	s28 =	simm.s32 $0x20;
	[sflag:s22] =	ssyncadd.s32 $0xFFFFC000  }
0x3d: {  	s29 =	sadd.s32 $0x20, s29;
	s31 =	sand.u32 $0x60, s28;
	_ =	swait.ge [sflag:s25], $0x80  }
0x3e: {  	s29 =	sand.u32 $0xFFFFF80, s29;
	s30 =	sadd.s32 s1, s31;
	[sflag:s25] =	ssyncset.done $0x0  }
0x3f: {  	s29 =	sadd.s32 s29, s30;
	[sflag:s25] =	ssyncadd.s32 $0xFFFFFF80  }
0x40: {  	[tilespmem:s3], [sflag:$0x1] =	stream.linear.gather [hbm4b:s29+s3], $0x80, $0x38;
	[tilespmem:$0x18100] =	vst v63  }
0x41: {  	_ = 	snop  }
0x42: {  	[spmem:s2] =	stream.indirect.scatter.add.f32 [tilespmem:s21], [sflag:$0x3], $0x80, s24, s24, $0xb8;
	[tilespmem:$0x18100] =	vst v63  }
0x43: {  	_ =	swait.ge [sflag:s22], $0x4000  }
0x44: {  	[sflag:s22] =	ssyncset.done $0x0  }
.LBB2_2:
0x45: {  	p0 =	sne.s32 s28, $0x4C0  }
0x46: {  	[sflag:s22] =	ssyncadd.s32 $0xFFFFC000;
	s29 =	smov.u32 s28;
	s28 =	sadd.s32 $0x20, s28  }
0x47: {  	s30 =	sadd.s32 s29, s20;
	s29 =	sand.u32 $0x60, s29;
	s31 =	sand.u32 $0x60, s28  }
0x48: {  	_ =	swait.ge [sflag:s23], $0x80;
	s0 =	sand.u32 $0xFFFFF80, s30;
	s29 =	sadd.s32 s29, s1  }
0x49: {  	[sflag:s23] =	ssyncset.done $0x0;
	s0 =	sadd.s32 s0, s29;
	s29 =	sadd.s32 $0x20, s30  }
0x4a: {  	[sflag:s23] =	ssyncadd.s32 $0xFFFFFF80;
	s0 =	sadd.s32 $0x10, s0;
	s29 =	sand.u32 $0xFFFFF80, s29  }
0x4b: {  	[tilespmem:s24], [sflag:$0x2] =	stream.linear.gather [hbm4b:s0+s3], $0x80, $0x38;
	[tilespmem:$0x18100] =	vst v63  }
0x4c: {  	_ = 	snop  }
0x4d: {  	[spmem:s2] =	stream.indirect.scatter.add.f32 [tilespmem:s21], [sflag:$0x3], $0x80, s3, s24, $0xb8;
	[tilespmem:$0x18100] =	vst v63  }
0x4e: {  	_ =	swait.ge [sflag:s22], $0x4000  }
0x4f: {  	[sflag:s22] =	ssyncset.done $0x0  }
0x50: {  	[sflag:s22] =	ssyncadd.s32 $0xFFFFC000  }
0x51: {  	_ =	swait.ge [sflag:s25], $0x80  }
0x52: {  	s0 =	sadd.s32 s1, s31;
	[sflag:s25] =	ssyncset.done $0x0  }
0x53: {  	s0 =	sadd.s32 s29, s0;
	[sflag:s25] =	ssyncadd.s32 $0xFFFFFF80  }
0x54: {  	[tilespmem:s3], [sflag:$0x1] =	stream.linear.gather [hbm4b:s0+s3], $0x80, $0x38;
	[tilespmem:$0x18100] =	vst v63  }
.Ltmp0:
0x55: {  	_ = 	snop;
	(pc) =	sbr.rel @p0 .LBB2_2-.Ltmp0, $4  }
0x56: {  	_ = 	snop  }
0x57: {  	[spmem:s2] =	stream.indirect.scatter.add.f32 [tilespmem:s21], [sflag:$0x3], $0x80, s24, s24, $0xb8;
	[tilespmem:$0x18100] =	vst v63  }
0x58: {  	_ =	swait.ge [sflag:s22], $0x4000  }
0x59: {  	[sflag:s22] =	ssyncset.done $0x0  }
0x5a: {  	[sflag:s22] =	ssyncadd.s32 $0xFFFFC000  }
0x5b: {  	_ =	swait.ge [sflag:s23], $0x80  }
0x5c: {  	[sflag:s23] =	ssyncset.done $0x0  }
0x5d: {  	[sflag:s23] =	ssyncadd.s32 $0xFFFFFF80  }
0x5e: {  	[tilespmem:s24], [sflag:$0x2] =	stream.linear.gather [hbm4b:s19+s3], $0x80, $0x38;
	[tilespmem:$0x18100] =	vst v63  }
0x5f: {  	_ = 	snop  }
0x60: {  	[spmem:s2] =	stream.indirect.scatter.add.f32 [tilespmem:s21], [sflag:$0x3], $0x80, s3, s24, $0xb8;
	[tilespmem:$0x18100] =	vst v63  }
0x61: {  	_ =	swait.ge [sflag:s22], $0x4000  }
0x62: {  	[sflag:s22] =	ssyncset.done $0x0  }
0x63: {  	[sflag:s22] =	ssyncadd.s32 $0xFFFFC000  }
0x64: {  	_ =	swait.ge [sflag:s25], $0x80  }
0x65: {  	[sflag:s25] =	ssyncset.done $0x0  }
0x66: {  	[sflag:s25] =	ssyncadd.s32 $0xFFFFFF80  }
0x67: {  	[spmem:s2] =	stream.indirect.scatter.add.f32 [tilespmem:s21], [sflag:$0x3], $0x80, s24, s24, $0xb8;
	[tilespmem:$0x18100] =	vst v63  }
0x68: {  	_ =	swait.ge [sflag:s22], $0x4000  }
0x69: {  	[sflag:s22] =	ssyncset.done $0x0  }
0x6a: {  	[sflag:s22] =	ssyncadd.s32 $0xFFFFC000  }
0x6b: {  	[bflag:$0x0] =	sbarrier.arrive $0xFFFF  }
0x6c: {  	[tilespmem:s21], [sflag:$0x3] =	stream.linear.gather [spmem:s7], $0x4000, $0x38;
	[tilespmem:$0x18100] =	vst v63  }
0x6d: {  	_ =	swait.ge [sflag:s22], $0x4000  }
0x6e: {  	[sflag:s22] =	ssyncset.done $0x0  }
0x6f: {  	[sflag:s22] =	ssyncadd.s32 $0xFFFFC000  }
0x70: {  	[hbm4b:s13+s3] =	stream.linear.scatter [tilespmem:s21], [sflag:$0x3], $0x4000, $0x38;
	[tilespmem:$0x18100] =	vst v63  }
0x71: {  	_ =	swait.ge [sflag:s22], $0x4000  }
0x72: {  	[sflag:s22] =	ssyncset.done $0x0  }
0x73: {  	[sflag:s22] =	ssyncadd.s32 $0xFFFFC000  }
0x74: {  	[tilespmem:s21], [sflag:$0x3] =	stream.linear.gather [spmem:s8], $0x4000, $0x38;
	[tilespmem:$0x18100] =	vst v63  }
0x75: {  	_ =	swait.ge [sflag:s22], $0x4000  }
0x76: {  	[sflag:s22] =	ssyncset.done $0x0  }
0x77: {  	[sflag:s22] =	ssyncadd.s32 $0xFFFFC000  }
0x78: {  	[hbm4b:s14+s3] =	stream.linear.scatter [tilespmem:s21], [sflag:$0x3], $0x4000, $0x38;
	[tilespmem:$0x18100] =	vst v63  }
0x79: {  	_ =	swait.ge [sflag:s22], $0x4000  }
0x7a: {  	[sflag:s22] =	ssyncset.done $0x0  }
0x7b: {  	[sflag:s22] =	ssyncadd.s32 $0xFFFFC000  }
0x7c: {  	[tilespmem:s21], [sflag:$0x3] =	stream.linear.gather [spmem:s9], $0x4000, $0x38;
	[tilespmem:$0x18100] =	vst v63  }
0x7d: {  	_ =	swait.ge [sflag:s22], $0x4000  }
0x7e: {  	[sflag:s22] =	ssyncset.done $0x0  }
0x7f: {  	[sflag:s22] =	ssyncadd.s32 $0xFFFFC000  }
0x80: {  	[hbm4b:s15+s3] =	stream.linear.scatter [tilespmem:s21], [sflag:$0x3], $0x4000, $0x38;
	[tilespmem:$0x18100] =	vst v63  }
0x81: {  	_ =	swait.ge [sflag:s22], $0x4000  }
0x82: {  	[sflag:s22] =	ssyncset.done $0x0  }
0x83: {  	[sflag:s22] =	ssyncadd.s32 $0xFFFFC000  }
0x84: {  	[tilespmem:s21], [sflag:$0x3] =	stream.linear.gather [spmem:s10], $0x4000, $0x38;
	[tilespmem:$0x18100] =	vst v63  }
0x85: {  	_ =	swait.ge [sflag:s22], $0x4000  }
0x86: {  	[sflag:s22] =	ssyncset.done $0x0  }
0x87: {  	[sflag:s22] =	ssyncadd.s32 $0xFFFFC000  }
0x88: {  	[hbm4b:s16+s3] =	stream.linear.scatter [tilespmem:s21], [sflag:$0x3], $0x4000, $0x38;
	[tilespmem:$0x18100] =	vst v63  }
0x89: {  	_ =	swait.ge [sflag:s22], $0x4000  }
0x8a: {  	[sflag:s22] =	ssyncset.done $0x0  }
0x8b: {  	[sflag:s22] =	ssyncadd.s32 $0xFFFFC000  }
0x8c: {  	[tilespmem:s21], [sflag:$0x3] =	stream.linear.gather [spmem:s11], $0x4000, $0x38;
	[tilespmem:$0x18100] =	vst v63  }
0x8d: {  	s26 =	sadd.s32 $0x1, s26;
	_ =	swait.ge [sflag:s22], $0x4000  }
0x8e: {  	p0 =	sne.s32 s26, s18;
	[sflag:s22] =	ssyncset.done $0x0  }
.Ltmp1:
0x8f: {  	[sflag:s22] =	ssyncadd.s32 $0xFFFFC000;
	(pc) =	sbr.rel @p0 .LBB2_1-.Ltmp1, $4  }
0x90: {  	[hbm4b:s17+s3] =	stream.linear.scatter [tilespmem:s21], [sflag:$0x3], $0x4000, $0x38;
	[tilespmem:$0x18100] =	vst v63  }
0x91: {  	_ =	swait.ge [sflag:s22], $0x4000  }
0x92: {  	[sflag:s22] =	ssyncset.done $0x0  }
0x93: {  	[sflag:s22] =	ssyncadd.s32 $0xFFFFC000  }
0x94: {  	_ =	sfence.sel $0x180000  }
0x95: {  	[bflag:$0x0] =	sbarrier.arrive $0xFFFF  }
0x96: {  	_ =	strace $0x9000004A  }
0x97: {  	[bflag:$0x2] =	sbarrier.arrive $0xFFFF  }
0x98: {  	p0 =	sne.s32 s4, $0x0;
	s0 =	rddreg [dreg:$0x3]  }
0x99: {  	s0 =	sadd.s32 @!p0 $0x100000, s0  }
0x9a: {  	[sflag:s0] =	ssyncadd.tile.s32 @!p0 $0x1;
	_ =	shalt  }
.Lfunc_end2:
_tile_overlayer_lowered:
.L_overlay_start_2:
0x9b: {  	(tag) =	ssettag $0x2  }
0x9c: {  	s0 =	rddreg [dreg:$0x0];
	s2 =	stileid.u32  }
0x9d: {  	s1 =	rddreg [dreg:$0x1];
	p0 =	sne.s32 s2, $0x0  }
0x9e: {  	s3 =	rddreg [dreg:$0x2];
	[bflag:$0x3] =	sbarrier.arrive $0xFFFF;
	s2 =	simm.s32 @!p0 $0x1C03  }
0x9f: {  	[timem:s3], [sflag:s2] =	dma.local @!p0 [hbm:s0], s1  }
0xa0: {  	s0 =	simm.s32 @!p0 $0x3  }
0xa1: {  	_ =	swait.ge @!p0 [sflag:s0], s1  }
0xa2: {  	s1 =	ssub.s32 @!p0 $0x0, s1;
	[sflag:s0] =	ssyncset.done @!p0 $0x0  }
0xa3: {  	[sflag:s0] =	ssyncadd.s32 @!p0 s1  }
0xa4: {  	[bflag:$0x3] =	sbarrier.arrive $0xFFFF  }
0xa5: {  	_ =	shalt  }

</sc_bundles>
